<compile_context>
chip_gen: v7x
topology: tpu7x:2x2x1
jax: 0.10.2.dev20260603
libtpu: 0.0.44.dev20260713+nightly
codegen_flags: <defaults>
</compile_context>

<pallas_src>
import functools

import jax
import jax.numpy as jnp
from jax import lax
from jax.experimental import pallas as pl
from jax.experimental.pallas import tpu as pltpu
from jax.experimental.pallas import tpu_sc as plsc

_ALPHA = 3.0
_MIN_DIFF = 0.1
_N = 4096

_SC_ROWS = 256
_TC_ROWS = _N - _SC_ROWS

_BR = 256
_BC = 1024

_NC = 2
_NS = 16
_L = 16
_NW = _NC * _NS
_ROWS_PER_W = _SC_ROWS // _NW
_RB = 8

_LOG1P_COEF = (
    -6.0066050e-03, 3.4264602e-02, -9.2290416e-02, 1.6499813e-01,
    -2.3943338e-01, 3.3144665e-01, -4.9982551e-01, 9.9999362e-01,
    3.9109054e-08,
)



def _mserank_tile(p_col_ref, t_col_ref, p_row_ref, t_row_ref,
                  loss_ref, cnt_ref, reg_ref):
    ri = pl.program_id(0)
    ci = pl.program_id(1)

    @pl.when(jnp.logical_and(ri == 0, ci == 0))
    def _init():
        loss_ref[...] = jnp.zeros((1, 1), jnp.float32)
        cnt_ref[...] = jnp.zeros((1, 1), jnp.float32)
        reg_ref[...] = jnp.zeros((1, 1), jnp.float32)

    p_i = p_col_ref[...]
    t_i = t_col_ref[...]
    p_j = p_row_ref[...]
    t_j = t_row_ref[...]

    d = t_i - t_j
    dp = p_i - p_j
    c = jnp.abs(d)
    term = jnp.maximum(-d * dp, 0.0) + c * jnp.log1p(jnp.exp(-jnp.abs(dp)))
    maskf = jnp.where(c > _MIN_DIFF, 1.0, 0.0)
    loss_ref[...] += jnp.sum(maskf * term, keepdims=True)
    cnt_ref[...] += jnp.sum(maskf, keepdims=True)

    @pl.when(ci == 0)
    def _reg():
        e = p_i - t_i
        reg_ref[...] += jnp.sum(e * e, keepdims=True)


def _tc_part(p_col, t_col, p_row, t_row):
    grid = (_TC_ROWS // _BR, _N // _BC)
    return pl.pallas_call(
        _mserank_tile,
        grid=grid,
        in_specs=[
            pl.BlockSpec((_BR, 1), lambda r, c: (r, 0)),
            pl.BlockSpec((_BR, 1), lambda r, c: (r, 0)),
            pl.BlockSpec((1, _BC), lambda r, c: (0, c)),
            pl.BlockSpec((1, _BC), lambda r, c: (0, c)),
        ],
        out_specs=[
            pl.BlockSpec((1, 1), lambda r, c: (0, 0)),
            pl.BlockSpec((1, 1), lambda r, c: (0, 0)),
            pl.BlockSpec((1, 1), lambda r, c: (0, 0)),
        ],
        out_shape=[
            jax.ShapeDtypeStruct((1, 1), jnp.float32),
            jax.ShapeDtypeStruct((1, 1), jnp.float32),
            jax.ShapeDtypeStruct((1, 1), jnp.float32),
        ],
    )(p_col, t_col, p_row, t_row)



def _log1p_poly(u):
    r = jnp.full_like(u, _LOG1P_COEF[0])
    for c in _LOG1P_COEF[1:]:
        r = r * u + jnp.float32(c)
    return r


_GATHER_DNUMS = lax.GatherDimensionNumbers(
    offset_dims=(), collapsed_slice_dims=(0,), start_index_map=(0,))


def _bcast_lane(v, r):
    idx = jnp.full((_L, 1), r, jnp.int32)
    return lax.gather(v, idx, _GATHER_DNUMS, (1,),
                      mode=lax.GatherScatterMode.PROMISE_IN_BOUNDS)


def _sc_body(pred_hbm, target_hbm, loss_hbm, cnt_hbm, reg_hbm,
             p_v, t_v, out_s):
    wid = lax.axis_index("s") * _NC + lax.axis_index("c")
    pltpu.sync_copy(pred_hbm, p_v.at[pl.ds(0, _N)])
    pltpu.sync_copy(target_hbm, t_v.at[pl.ds(0, _N)])
    base = wid * _ROWS_PER_W
    zero = jnp.zeros((_L,), jnp.float32)

    def blk_body(b, carry):
        row0 = base + b * _RB
        vrow_p = p_v[pl.ds(row0, _L)]
        vrow_t = t_v[pl.ds(row0, _L)]
        p_b = [_bcast_lane(vrow_p, r) for r in range(_RB)]
        t_b = [_bcast_lane(vrow_t, r) for r in range(_RB)]

        def col_body(cidx, carry2):
            laccs, caccs = carry2
            j0 = cidx * _L
            vp = p_v[pl.ds(j0, _L)]
            vt = t_v[pl.ds(j0, _L)]
            new_l, new_c = [], []
            for r in range(_RB):
                d = t_b[r] - vt
                dp = p_b[r] - vp
                w = d * dp
                e = jnp.exp(-jnp.abs(dp))
                c = jnp.abs(d)
                term = jnp.maximum(-w, 0.0) + c * _log1p_poly(e)
                maskf = jnp.where(c > _MIN_DIFF, 1.0, 0.0)
                new_l.append(laccs[r] + maskf * term)
                new_c.append(caccs[r] + maskf)
            return tuple(new_l), tuple(new_c)

        return lax.fori_loop(0, _N // _L, col_body, carry)

    init = (tuple(zero for _ in range(_RB)), tuple(zero for _ in range(_RB)))
    laccs, caccs = lax.fori_loop(0, _ROWS_PER_W // _RB, blk_body, init)
    lacc = laccs[0]
    cacc = caccs[0]
    for r in range(1, _RB):
        lacc = lacc + laccs[r]
        cacc = cacc + caccs[r]

    def reg_body(k, racc):
        j0 = base + k * _L
        e = p_v[pl.ds(j0, _L)] - t_v[pl.ds(j0, _L)]
        return racc + e * e

    racc = lax.fori_loop(0, _ROWS_PER_W // _L, reg_body, zero)

    out_s[0, :] = lacc
    out_s[1, :] = cacc
    out_s[2, :] = racc
    pltpu.sync_copy(out_s.at[0], loss_hbm.at[wid])
    pltpu.sync_copy(out_s.at[1], cnt_hbm.at[wid])
    pltpu.sync_copy(out_s.at[2], reg_hbm.at[wid])


_sc_program = functools.partial(
    pl.kernel,
    out_type=[
        jax.ShapeDtypeStruct((_NW, _L), jnp.float32),
        jax.ShapeDtypeStruct((_NW, _L), jnp.float32),
        jax.ShapeDtypeStruct((_NW, _L), jnp.float32),
    ],
    mesh=plsc.VectorSubcoreMesh(core_axis_name="c", subcore_axis_name="s"),
    scratch_types=[
        pltpu.VMEM((_N + _L,), jnp.float32),
        pltpu.VMEM((_N + _L,), jnp.float32),
        pltpu.VMEM((3, _L), jnp.float32),
    ],
)(_sc_body)



@jax.jit
def kernel(pred, target):
    p = pred.reshape(_N)
    t = target.reshape(_N)

    sc_loss, sc_cnt, sc_reg = _sc_program(p, t)

    p_col = p[_SC_ROWS:].reshape(_TC_ROWS, 1)
    t_col = t[_SC_ROWS:].reshape(_TC_ROWS, 1)
    tc_loss, tc_cnt, tc_reg = _tc_part(
        p_col, t_col, p.reshape(1, _N), t.reshape(1, _N))

    loss_sum = tc_loss[0, 0] + jnp.sum(sc_loss)
    cnt = tc_cnt[0, 0] + jnp.sum(sc_cnt)
    reg = (tc_reg[0, 0] + jnp.sum(sc_reg)) / _N
    pair_mean = loss_sum / jnp.maximum(cnt, 1.0)
    return jnp.where(cnt > 0, reg + _ALPHA * pair_mean, reg)

# --- scband reference (transcript-rebuilt; emitter-appended) ---
"""Pipeline reference for scband-mserank-loss-63316407877851 (READ-ONLY COPY).

The authoritative reference and input builder live on the scoring server;
editing this copy changes nothing except your own understanding.
"""

import jax, jax.numpy as jnp
import numpy as np

ALPHA = 3.0
MIN_DIFF = 0.1
N = 4096


def setup_inputs(seed: int = 0) -> dict:
    key = jax.random.key(seed)
    k1, k2 = jax.random.split(key)
    pred = jax.random.normal(k1, (N, 1), dtype=jnp.float32)
    target = jax.random.normal(k2, (N, 1), dtype=jnp.float32)
    return {"pred": pred, "target": target}


def reference(pred, target):
    pred = pred.reshape(-1)
    target = target.reshape(-1)
    n = pred.shape[0]
    # regression term (MSELoss, mean reduction)
    regression_loss = jnp.mean((pred - target) ** 2)
    # all upper-triangular pairs (i < j)
    rows, cols = jnp.triu_indices(n, k=1)
    pred_i = pred[rows]
    pred_j = pred[cols]
    target_i = target[rows]
    target_j = target[cols]
    diff_target = target_i - target_j
    confidence = jax.lax.stop_gradient(jnp.abs(diff_target))
    mask = confidence > MIN_DIFF
    bpr_diff = jax.nn.log_sigmoid((pred_i - pred_j) * jnp.sign(jax.lax.stop_gradient(diff_target)))
    pairwise_loss = -confidence * bpr_diff
    cnt = jnp.sum(mask)
    # masked mean (equivalent to pairwise_loss[mask].mean() when cnt > 0)
    pl = jnp.sum(jnp.where(mask, pairwise_loss, 0.0)) / jnp.maximum(cnt, 1).astype(pairwise_loss.dtype)
    total_loss = jnp.where(cnt > 0, regression_loss + ALPHA * pl, regression_loss)
    return total_loss

if __name__ == "__main__":
    import jax
    _d = setup_inputs()
    print(jax.jit(kernel)(*tuple(_d.values())))

</pallas_src>

<mosaic_0001>
#map = affine_map<(d0, d1) -> (0)>
#map1 = affine_map<(d0, d1) -> (0, 0)>
module attributes {stable_mosaic.version = 14 : i64} {
  func.func @_sc_body(%arg0: i32, %arg1: i32, %arg2: memref<4096xf32, #tpu.memory_space<hbm>>, %arg3: memref<4096xf32, #tpu.memory_space<hbm>>, %arg4: memref<32x16xf32, #tpu.memory_space<hbm>>, %arg5: memref<32x16xf32, #tpu.memory_space<hbm>>, %arg6: memref<32x16xf32, #tpu.memory_space<hbm>>, %arg7: memref<4112xf32, #tpu.memory_space<vmem>>, %arg8: memref<4112xf32, #tpu.memory_space<vmem>>, %arg9: memref<3x16xf32, #tpu.memory_space<vmem>>) attributes {dimension_semantics = [#tpu.dimension_semantics<core_parallel>, #tpu.dimension_semantics<subcore_parallel>], iteration_bounds = array<i64: 2, 16>, scalar_prefetch = 0 : i64, scratch_operands = 3 : i64, tpu.core_type = #tpu.core_type<sc_vector_subcore>, window_params = [{transform_indices = #map}, {transform_indices = #map}, {transform_indices = #map1}, {transform_indices = #map1}, {transform_indices = #map1}]} {
    %mul3A = arith.constant 2 : i32
    %mul3A_0 = arith.muli %arg1, %mul3A : i32
    %add3A = arith.addi %mul3A_0, %arg0 : i32
    "tpu.region"() ({
      %run_scoped3A_119 = tpu.sem_alloc : memref<!tpu.dma_semaphore, #tpu.memory_space<semaphore_mem>>
      %dma_start3A = arith.constant 0 : i32
      %dma_start3A_120 = tpu.memref_slice %arg7[%dma_start3A] : memref<4112xf32, #tpu.memory_space<vmem>> -> memref<4096xf32, #tpu.memory_space<vmem>>
      %dma_start3A_121 = arith.constant 0 : i32
      %dma_start3A_122 = tpu.memref_slice %arg7[%dma_start3A_121] : memref<4112xf32, #tpu.memory_space<vmem>> -> memref<4096xf32, #tpu.memory_space<vmem>>
      tpu.enqueue_dma source(%arg2 : memref<4096xf32, #tpu.memory_space<hbm>>) target(%dma_start3A_122 : memref<4096xf32, #tpu.memory_space<vmem>>) target_semaphore(%run_scoped3A_119 : memref<!tpu.dma_semaphore, #tpu.memory_space<semaphore_mem>>)
      %dma_wait3A = arith.constant 0 : i32
      %dma_wait3A_123 = tpu.memref_slice %arg7[%dma_wait3A] : memref<4112xf32, #tpu.memory_space<vmem>> -> memref<4096xf32, #tpu.memory_space<vmem>>
      %dma_wait3A_124 = arith.constant 0 : i32
      %dma_wait3A_125 = tpu.memref_slice %arg7[%dma_wait3A_124] : memref<4112xf32, #tpu.memory_space<vmem>> -> memref<4096xf32, #tpu.memory_space<vmem>>
      tpu.wait_dma2 semaphore(%run_scoped3A_119 : memref<!tpu.dma_semaphore, #tpu.memory_space<semaphore_mem>>) src(%arg2 : memref<4096xf32, #tpu.memory_space<hbm>>) dst(%dma_wait3A_125 : memref<4096xf32, #tpu.memory_space<vmem>>)
      tpu.yield
    }) : () -> ()
    "tpu.region"() ({
      %run_scoped3A_119 = tpu.sem_alloc : memref<!tpu.dma_semaphore, #tpu.memory_space<semaphore_mem>>
      %dma_start3A = arith.constant 0 : i32
      %dma_start3A_120 = tpu.memref_slice %arg8[%dma_start3A] : memref<4112xf32, #tpu.memory_space<vmem>> -> memref<4096xf32, #tpu.memory_space<vmem>>
      %dma_start3A_121 = arith.constant 0 : i32
      %dma_start3A_122 = tpu.memref_slice %arg8[%dma_start3A_121] : memref<4112xf32, #tpu.memory_space<vmem>> -> memref<4096xf32, #tpu.memory_space<vmem>>
      tpu.enqueue_dma source(%arg3 : memref<4096xf32, #tpu.memory_space<hbm>>) target(%dma_start3A_122 : memref<4096xf32, #tpu.memory_space<vmem>>) target_semaphore(%run_scoped3A_119 : memref<!tpu.dma_semaphore, #tpu.memory_space<semaphore_mem>>)
      %dma_wait3A = arith.constant 0 : i32
      %dma_wait3A_123 = tpu.memref_slice %arg8[%dma_wait3A] : memref<4112xf32, #tpu.memory_space<vmem>> -> memref<4096xf32, #tpu.memory_space<vmem>>
      %dma_wait3A_124 = arith.constant 0 : i32
      %dma_wait3A_125 = tpu.memref_slice %arg8[%dma_wait3A_124] : memref<4112xf32, #tpu.memory_space<vmem>> -> memref<4096xf32, #tpu.memory_space<vmem>>
      tpu.wait_dma2 semaphore(%run_scoped3A_119 : memref<!tpu.dma_semaphore, #tpu.memory_space<semaphore_mem>>) src(%arg3 : memref<4096xf32, #tpu.memory_space<hbm>>) dst(%dma_wait3A_125 : memref<4096xf32, #tpu.memory_space<vmem>>)
      tpu.yield
    }) : () -> ()
    %mul3A_1 = arith.constant 8 : i32
    %mul3A_2 = arith.muli %add3A, %mul3A_1 : i32
    %broadcast_in_dim3A = arith.constant 0.000000e+00 : f32
    %broadcast_in_dim3A_3 = vector.broadcast %broadcast_in_dim3A : f32 to vector<16xf32>
    %scan3A = arith.constant 0 : i32
    %mul3A_4 = arith.constant 8 : i32
    %mul3A_5 = arith.muli %scan3A, %mul3A_4 : i32
    %add3A_6 = arith.addi %mul3A_2, %mul3A_5 : i32
    %get3A = arith.index_cast %add3A_6 : i32 to index
    %get3A_7 = tpu.vector_load %arg7[%get3A] {strides = array<i32>} : memref<4112xf32, #tpu.memory_space<vmem>>, vector<16xf32>,
    %get3A_8 = vector.shape_cast %get3A_7 : vector<16xf32> to vector<16xf32>
    %get3A_9 = arith.index_cast %add3A_6 : i32 to index
    %get3A_10 = tpu.vector_load %arg8[%get3A_9] {strides = array<i32>} : memref<4112xf32, #tpu.memory_space<vmem>>, vector<16xf32>,
    %get3A_11 = vector.shape_cast %get3A_10 : vector<16xf32> to vector<16xf32>
    %broadcast_in_dim3A_12 = arith.constant 0 : i32
    %broadcast_in_dim3A_13 = vector.broadcast %broadcast_in_dim3A_12 : i32 to vector<16x1xi32>
    %gather3A = vector.shape_cast %broadcast_in_dim3A_13 : vector<16x1xi32> to vector<16xi32>
    %gather3A_14 = tpu.dynamic_gather %get3A_8[%gather3A] in [0] : vector<16xf32>, vector<16xi32> -> vector<16xf32>
    %broadcast_in_dim3A_15 = arith.constant 1 : i32
    %broadcast_in_dim3A_16 = vector.broadcast %broadcast_in_dim3A_15 : i32 to vector<16x1xi32>
    %gather3A_17 = vector.shape_cast %broadcast_in_dim3A_16 : vector<16x1xi32> to vector<16xi32>
    %gather3A_18 = tpu.dynamic_gather %get3A_8[%gather3A_17] in [0] : vector<16xf32>, vector<16xi32> -> vector<16xf32>
    %broadcast_in_dim3A_19 = arith.constant 2 : i32
    %broadcast_in_dim3A_20 = vector.broadcast %broadcast_in_dim3A_19 : i32 to vector<16x1xi32>
    %gather3A_21 = vector.shape_cast %broadcast_in_dim3A_20 : vector<16x1xi32> to vector<16xi32>
    %gather3A_22 = tpu.dynamic_gather %get3A_8[%gather3A_21] in [0] : vector<16xf32>, vector<16xi32> -> vector<16xf32>
    %broadcast_in_dim3A_23 = arith.constant 3 : i32
    %broadcast_in_dim3A_24 = vector.broadcast %broadcast_in_dim3A_23 : i32 to vector<16x1xi32>
    %gather3A_25 = vector.shape_cast %broadcast_in_dim3A_24 : vector<16x1xi32> to vector<16xi32>
    %gather3A_26 = tpu.dynamic_gather %get3A_8[%gather3A_25] in [0] : vector<16xf32>, vector<16xi32> -> vector<16xf32>
    %broadcast_in_dim3A_27 = arith.constant 4 : i32
    %broadcast_in_dim3A_28 = vector.broadcast %broadcast_in_dim3A_27 : i32 to vector<16x1xi32>
    %gather3A_29 = vector.shape_cast %broadcast_in_dim3A_28 : vector<16x1xi32> to vector<16xi32>
    %gather3A_30 = tpu.dynamic_gather %get3A_8[%gather3A_29] in [0] : vector<16xf32>, vector<16xi32> -> vector<16xf32>
    %broadcast_in_dim3A_31 = arith.constant 5 : i32
    %broadcast_in_dim3A_32 = vector.broadcast %broadcast_in_dim3A_31 : i32 to vector<16x1xi32>
    %gather3A_33 = vector.shape_cast %broadcast_in_dim3A_32 : vector<16x1xi32> to vector<16xi32>
    %gather3A_34 = tpu.dynamic_gather %get3A_8[%gather3A_33] in [0] : vector<16xf32>, vector<16xi32> -> vector<16xf32>
    %broadcast_in_dim3A_35 = arith.constant 6 : i32
    %broadcast_in_dim3A_36 = vector.broadcast %broadcast_in_dim3A_35 : i32 to vector<16x1xi32>
    %gather3A_37 = vector.shape_cast %broadcast_in_dim3A_36 : vector<16x1xi32> to vector<16xi32>
    %gather3A_38 = tpu.dynamic_gather %get3A_8[%gather3A_37] in [0] : vector<16xf32>, vector<16xi32> -> vector<16xf32>
    %broadcast_in_dim3A_39 = arith.constant 7 : i32
    %broadcast_in_dim3A_40 = vector.broadcast %broadcast_in_dim3A_39 : i32 to vector<16x1xi32>
    %gather3A_41 = vector.shape_cast %broadcast_in_dim3A_40 : vector<16x1xi32> to vector<16xi32>
    %gather3A_42 = tpu.dynamic_gather %get3A_8[%gather3A_41] in [0] : vector<16xf32>, vector<16xi32> -> vector<16xf32>
    %broadcast_in_dim3A_43 = arith.constant 0 : i32
    %broadcast_in_dim3A_44 = vector.broadcast %broadcast_in_dim3A_43 : i32 to vector<16x1xi32>
    %gather3A_45 = vector.shape_cast %broadcast_in_dim3A_44 : vector<16x1xi32> to vector<16xi32>
    %gather3A_46 = tpu.dynamic_gather %get3A_11[%gather3A_45] in [0] : vector<16xf32>, vector<16xi32> -> vector<16xf32>
    %broadcast_in_dim3A_47 = arith.constant 1 : i32
    %broadcast_in_dim3A_48 = vector.broadcast %broadcast_in_dim3A_47 : i32 to vector<16x1xi32>
    %gather3A_49 = vector.shape_cast %broadcast_in_dim3A_48 : vector<16x1xi32> to vector<16xi32>
    %gather3A_50 = tpu.dynamic_gather %get3A_11[%gather3A_49] in [0] : vector<16xf32>, vector<16xi32> -> vector<16xf32>
    %broadcast_in_dim3A_51 = arith.constant 2 : i32
    %broadcast_in_dim3A_52 = vector.broadcast %broadcast_in_dim3A_51 : i32 to vector<16x1xi32>
    %gather3A_53 = vector.shape_cast %broadcast_in_dim3A_52 : vector<16x1xi32> to vector<16xi32>
    %gather3A_54 = tpu.dynamic_gather %get3A_11[%gather3A_53] in [0] : vector<16xf32>, vector<16xi32> -> vector<16xf32>
    %broadcast_in_dim3A_55 = arith.constant 3 : i32
    %broadcast_in_dim3A_56 = vector.broadcast %broadcast_in_dim3A_55 : i32 to vector<16x1xi32>
    %gather3A_57 = vector.shape_cast %broadcast_in_dim3A_56 : vector<16x1xi32> to vector<16xi32>
    %gather3A_58 = tpu.dynamic_gather %get3A_11[%gather3A_57] in [0] : vector<16xf32>, vector<16xi32> -> vector<16xf32>
    %broadcast_in_dim3A_59 = arith.constant 4 : i32
    %broadcast_in_dim3A_60 = vector.broadcast %broadcast_in_dim3A_59 : i32 to vector<16x1xi32>
    %gather3A_61 = vector.shape_cast %broadcast_in_dim3A_60 : vector<16x1xi32> to vector<16xi32>
    %gather3A_62 = tpu.dynamic_gather %get3A_11[%gather3A_61] in [0] : vector<16xf32>, vector<16xi32> -> vector<16xf32>
    %broadcast_in_dim3A_63 = arith.constant 5 : i32
    %broadcast_in_dim3A_64 = vector.broadcast %broadcast_in_dim3A_63 : i32 to vector<16x1xi32>
    %gather3A_65 = vector.shape_cast %broadcast_in_dim3A_64 : vector<16x1xi32> to vector<16xi32>
    %gather3A_66 = tpu.dynamic_gather %get3A_11[%gather3A_65] in [0] : vector<16xf32>, vector<16xi32> -> vector<16xf32>
    %broadcast_in_dim3A_67 = arith.constant 6 : i32
    %broadcast_in_dim3A_68 = vector.broadcast %broadcast_in_dim3A_67 : i32 to vector<16x1xi32>
    %gather3A_69 = vector.shape_cast %broadcast_in_dim3A_68 : vector<16x1xi32> to vector<16xi32>
    %gather3A_70 = tpu.dynamic_gather %get3A_11[%gather3A_69] in [0] : vector<16xf32>, vector<16xi32> -> vector<16xf32>
    %broadcast_in_dim3A_71 = arith.constant 7 : i32
    %broadcast_in_dim3A_72 = vector.broadcast %broadcast_in_dim3A_71 : i32 to vector<16x1xi32>
    %gather3A_73 = vector.shape_cast %broadcast_in_dim3A_72 : vector<16x1xi32> to vector<16xi32>
    %gather3A_74 = tpu.dynamic_gather %get3A_11[%gather3A_73] in [0] : vector<16xf32>, vector<16xi32> -> vector<16xf32>
    %scan3A_75 = arith.constant 0 : i32
    %scan3A_76 = arith.constant 256 : i32
    %scan3A_77 = arith.addi %scan3A_75, %scan3A_76 : i32
    %scan3A_78 = arith.constant 1 : i32
    %scan3A_79:16 = scf.for %scan3A_119 = %scan3A_75 to %scan3A_77 step %scan3A_78 iter_args(%scan3A_120 = %broadcast_in_dim3A_3, %scan3A_121 = %broadcast_in_dim3A_3, %scan3A_122 = %broadcast_in_dim3A_3, %scan3A_123 = %broadcast_in_dim3A_3, %scan3A_124 = %broadcast_in_dim3A_3, %scan3A_125 = %broadcast_in_dim3A_3, %scan3A_126 = %broadcast_in_dim3A_3, %scan3A_127 = %broadcast_in_dim3A_3, %scan3A_128 = %broadcast_in_dim3A_3, %scan3A_129 = %broadcast_in_dim3A_3, %scan3A_130 = %broadcast_in_dim3A_3, %scan3A_131 = %broadcast_in_dim3A_3, %scan3A_132 = %broadcast_in_dim3A_3, %scan3A_133 = %broadcast_in_dim3A_3, %scan3A_134 = %broadcast_in_dim3A_3, %scan3A_135 = %broadcast_in_dim3A_3) -> (vector<16xf32>, vector<16xf32>, vector<16xf32>, vector<16xf32>, vector<16xf32>, vector<16xf32>, vector<16xf32>, vector<16xf32>, vector<16xf32>, vector<16xf32>, vector<16xf32>, vector<16xf32>, vector<16xf32>, vector<16xf32>, vector<16xf32>, vector<16xf32>)  : i32 {
      %mul3A_136 = arith.constant 16 : i32
      %mul3A_137 = arith.muli %scan3A_119, %mul3A_136 : i32
      %get3A_138 = arith.index_cast %mul3A_137 : i32 to index
      %get3A_139 = tpu.vector_load %arg7[%get3A_138] {strides = array<i32>} : memref<4112xf32, #tpu.memory_space<vmem>>, vector<16xf32>,
      %get3A_140 = vector.shape_cast %get3A_139 : vector<16xf32> to vector<16xf32>
      %get3A_141 = arith.index_cast %mul3A_137 : i32 to index
      %get3A_142 = tpu.vector_load %arg8[%get3A_141] {strides = array<i32>} : memref<4112xf32, #tpu.memory_space<vmem>>, vector<16xf32>,
      %get3A_143 = vector.shape_cast %get3A_142 : vector<16xf32> to vector<16xf32>
      %sub3A = arith.subf %gather3A_46, %get3A_143 : vector<16xf32>
      %sub3A_144 = arith.subf %gather3A_14, %get3A_140 : vector<16xf32>
      %mul3A_145 = arith.mulf %sub3A, %sub3A_144 : vector<16xf32>
      %abs3A = math.absf %sub3A_144 : vector<16xf32>
      %neg3A = arith.constant 0.000000e+00 : f32
      %neg3A_146 = vector.broadcast %neg3A : f32 to vector<16xf32>
      %neg3A_147 = arith.subf %neg3A_146, %abs3A : vector<16xf32>
      %exp3A = math.exp %neg3A_147 : vector<16xf32>
      %abs3A_148 = math.absf %sub3A : vector<16xf32>
      %neg3A_149 = arith.constant 0.000000e+00 : f32
      %neg3A_150 = vector.broadcast %neg3A_149 : f32 to vector<16xf32>
      %neg3A_151 = arith.subf %neg3A_150, %mul3A_145 : vector<16xf32>
      %max3A = arith.constant 0.000000e+00 : f32
      %max3A_152 = vector.broadcast %max3A : f32 to vector<16xf32>
      %max3A_153 = arith.maximumf %neg3A_151, %max3A_152 : vector<16xf32>
      %broadcast_in_dim3A_154 = arith.constant -0.00600660499 : f32
      %broadcast_in_dim3A_155 = vector.broadcast %broadcast_in_dim3A_154 : f32 to vector<16xf32>
      %mul3A_156 = arith.mulf %broadcast_in_dim3A_155, %exp3A : vector<16xf32>
      %add3A_157 = arith.constant 3.426460e-02 : f32
      %add3A_158 = vector.broadcast %add3A_157 : f32 to vector<16xf32>
      %add3A_159 = arith.addf %mul3A_156, %add3A_158 : vector<16xf32>
      %mul3A_160 = arith.mulf %add3A_159, %exp3A : vector<16xf32>
      %add3A_161 = arith.constant -0.0922904164 : f32
      %add3A_162 = vector.broadcast %add3A_161 : f32 to vector<16xf32>
      %add3A_163 = arith.addf %mul3A_160, %add3A_162 : vector<16xf32>
      %mul3A_164 = arith.mulf %add3A_163, %exp3A : vector<16xf32>
      %add3A_165 = arith.constant 0.164998129 : f32
      %add3A_166 = vector.broadcast %add3A_165 : f32 to vector<16xf32>
      %add3A_167 = arith.addf %mul3A_164, %add3A_166 : vector<16xf32>
      %mul3A_168 = arith.mulf %add3A_167, %exp3A : vector<16xf32>
      %add3A_169 = arith.constant -0.239433378 : f32
      %add3A_170 = vector.broadcast %add3A_169 : f32 to vector<16xf32>
      %add3A_171 = arith.addf %mul3A_168, %add3A_170 : vector<16xf32>
      %mul3A_172 = arith.mulf %add3A_171, %exp3A : vector<16xf32>
      %add3A_173 = arith.constant 0.331446648 : f32
      %add3A_174 = vector.broadcast %add3A_173 : f32 to vector<16xf32>
      %add3A_175 = arith.addf %mul3A_172, %add3A_174 : vector<16xf32>
      %mul3A_176 = arith.mulf %add3A_175, %exp3A : vector<16xf32>
      %add3A_177 = arith.constant -0.499825507 : f32
      %add3A_178 = vector.broadcast %add3A_177 : f32 to vector<16xf32>
      %add3A_179 = arith.addf %mul3A_176, %add3A_178 : vector<16xf32>
      %mul3A_180 = arith.mulf %add3A_179, %exp3A : vector<16xf32>
      %add3A_181 = arith.constant 0.999993622 : f32
      %add3A_182 = vector.broadcast %add3A_181 : f32 to vector<16xf32>
      %add3A_183 = arith.addf %mul3A_180, %add3A_182 : vector<16xf32>
      %mul3A_184 = arith.mulf %add3A_183, %exp3A : vector<16xf32>
      %add3A_185 = arith.constant 3.91090538E-8 : f32
      %add3A_186 = vector.broadcast %add3A_185 : f32 to vector<16xf32>
      %add3A_187 = arith.addf %mul3A_184, %add3A_186 : vector<16xf32>
      %mul3A_188 = arith.mulf %abs3A_148, %add3A_187 : vector<16xf32>
      %add3A_189 = arith.addf %max3A_153, %mul3A_188 : vector<16xf32>
      %gt3A = arith.constant 1.000000e-01 : f32
      %gt3A_190 = vector.broadcast %gt3A : f32 to vector<16xf32>
      %gt3A_191 = arith.cmpf ogt, %abs3A_148, %gt3A_190 : vector<16xf32>
      %jit3A = arith.constant 1.000000e+00 : f32
      %jit3A_192 = arith.constant 0.000000e+00 : f32
      %broadcast_in_dim3A_193 = vector.broadcast %jit3A : f32 to vector<16xf32>
      %broadcast_in_dim3A_194 = vector.broadcast %jit3A_192 : f32 to vector<16xf32>
      %select_n3A = arith.select %gt3A_191, %broadcast_in_dim3A_193, %broadcast_in_dim3A_194 : vector<16xi1>, vector<16xf32>
      %mul3A_195 = arith.mulf %select_n3A, %add3A_189 : vector<16xf32>
      %add3A_196 = arith.addf %scan3A_120, %mul3A_195 : vector<16xf32>
      %add3A_197 = arith.addf %scan3A_128, %select_n3A : vector<16xf32>
      %sub3A_198 = arith.subf %gather3A_50, %get3A_143 : vector<16xf32>
      %sub3A_199 = arith.subf %gather3A_18, %get3A_140 : vector<16xf32>
      %mul3A_200 = arith.mulf %sub3A_198, %sub3A_199 : vector<16xf32>
      %abs3A_201 = math.absf %sub3A_199 : vector<16xf32>
      %neg3A_202 = arith.constant 0.000000e+00 : f32
      %neg3A_203 = vector.broadcast %neg3A_202 : f32 to vector<16xf32>
      %neg3A_204 = arith.subf %neg3A_203, %abs3A_201 : vector<16xf32>
      %exp3A_205 = math.exp %neg3A_204 : vector<16xf32>
      %abs3A_206 = math.absf %sub3A_198 : vector<16xf32>
      %neg3A_207 = arith.constant 0.000000e+00 : f32
      %neg3A_208 = vector.broadcast %neg3A_207 : f32 to vector<16xf32>
      %neg3A_209 = arith.subf %neg3A_208, %mul3A_200 : vector<16xf32>
      %max3A_210 = arith.constant 0.000000e+00 : f32
      %max3A_211 = vector.broadcast %max3A_210 : f32 to vector<16xf32>
      %max3A_212 = arith.maximumf %neg3A_209, %max3A_211 : vector<16xf32>
      %broadcast_in_dim3A_213 = arith.constant -0.00600660499 : f32
      %broadcast_in_dim3A_214 = vector.broadcast %broadcast_in_dim3A_213 : f32 to vector<16xf32>
      %mul3A_215 = arith.mulf %broadcast_in_dim3A_214, %exp3A_205 : vector<16xf32>
      %add3A_216 = arith.constant 3.426460e-02 : f32
      %add3A_217 = vector.broadcast %add3A_216 : f32 to vector<16xf32>
      %add3A_218 = arith.addf %mul3A_215, %add3A_217 : vector<16xf32>
      %mul3A_219 = arith.mulf %add3A_218, %exp3A_205 : vector<16xf32>
      %add3A_220 = arith.constant -0.0922904164 : f32
      %add3A_221 = vector.broadcast %add3A_220 : f32 to vector<16xf32>
      %add3A_222 = arith.addf %mul3A_219, %add3A_221 : vector<16xf32>
      %mul3A_223 = arith.mulf %add3A_222, %exp3A_205 : vector<16xf32>
      %add3A_224 = arith.constant 0.164998129 : f32
      %add3A_225 = vector.broadcast %add3A_224 : f32 to vector<16xf32>
      %add3A_226 = arith.addf %mul3A_223, %add3A_225 : vector<16xf32>
      %mul3A_227 = arith.mulf %add3A_226, %exp3A_205 : vector<16xf32>
      %add3A_228 = arith.constant -0.239433378 : f32
      %add3A_229 = vector.broadcast %add3A_228 : f32 to vector<16xf32>
      %add3A_230 = arith.addf %mul3A_227, %add3A_229 : vector<16xf32>
      %mul3A_231 = arith.mulf %add3A_230, %exp3A_205 : vector<16xf32>
      %add3A_232 = arith.constant 0.331446648 : f32
      %add3A_233 = vector.broadcast %add3A_232 : f32 to vector<16xf32>
      %add3A_234 = arith.addf %mul3A_231, %add3A_233 : vector<16xf32>
      %mul3A_235 = arith.mulf %add3A_234, %exp3A_205 : vector<16xf32>
      %add3A_236 = arith.constant -0.499825507 : f32
      %add3A_237 = vector.broadcast %add3A_236 : f32 to vector<16xf32>
      %add3A_238 = arith.addf %mul3A_235, %add3A_237 : vector<16xf32>
      %mul3A_239 = arith.mulf %add3A_238, %exp3A_205 : vector<16xf32>
      %add3A_240 = arith.constant 0.999993622 : f32
      %add3A_241 = vector.broadcast %add3A_240 : f32 to vector<16xf32>
      %add3A_242 = arith.addf %mul3A_239, %add3A_241 : vector<16xf32>
      %mul3A_243 = arith.mulf %add3A_242, %exp3A_205 : vector<16xf32>
      %add3A_244 = arith.constant 3.91090538E-8 : f32
      %add3A_245 = vector.broadcast %add3A_244 : f32 to vector<16xf32>
      %add3A_246 = arith.addf %mul3A_243, %add3A_245 : vector<16xf32>
      %mul3A_247 = arith.mulf %abs3A_206, %add3A_246 : vector<16xf32>
      %add3A_248 = arith.addf %max3A_212, %mul3A_247 : vector<16xf32>
      %gt3A_249 = arith.constant 1.000000e-01 : f32
      %gt3A_250 = vector.broadcast %gt3A_249 : f32 to vector<16xf32>
      %gt3A_251 = arith.cmpf ogt, %abs3A_206, %gt3A_250 : vector<16xf32>
      %jit3A_252 = arith.constant 1.000000e+00 : f32
      %jit3A_253 = arith.constant 0.000000e+00 : f32
      %broadcast_in_dim3A_254 = vector.broadcast %jit3A_252 : f32 to vector<16xf32>
      %broadcast_in_dim3A_255 = vector.broadcast %jit3A_253 : f32 to vector<16xf32>
      %select_n3A_256 = arith.select %gt3A_251, %broadcast_in_dim3A_254, %broadcast_in_dim3A_255 : vector<16xi1>, vector<16xf32>
      %mul3A_257 = arith.mulf %select_n3A_256, %add3A_248 : vector<16xf32>
      %add3A_258 = arith.addf %scan3A_121, %mul3A_257 : vector<16xf32>
      %add3A_259 = arith.addf %scan3A_129, %select_n3A_256 : vector<16xf32>
      %sub3A_260 = arith.subf %gather3A_54, %get3A_143 : vector<16xf32>
      %sub3A_261 = arith.subf %gather3A_22, %get3A_140 : vector<16xf32>
      %mul3A_262 = arith.mulf %sub3A_260, %sub3A_261 : vector<16xf32>
      %abs3A_263 = math.absf %sub3A_261 : vector<16xf32>
      %neg3A_264 = arith.constant 0.000000e+00 : f32
      %neg3A_265 = vector.broadcast %neg3A_264 : f32 to vector<16xf32>
      %neg3A_266 = arith.subf %neg3A_265, %abs3A_263 : vector<16xf32>
      %exp3A_267 = math.exp %neg3A_266 : vector<16xf32>
      %abs3A_268 = math.absf %sub3A_260 : vector<16xf32>
      %neg3A_269 = arith.constant 0.000000e+00 : f32
      %neg3A_270 = vector.broadcast %neg3A_269 : f32 to vector<16xf32>
      %neg3A_271 = arith.subf %neg3A_270, %mul3A_262 : vector<16xf32>
      %max3A_272 = arith.constant 0.000000e+00 : f32
      %max3A_273 = vector.broadcast %max3A_272 : f32 to vector<16xf32>
      %max3A_274 = arith.maximumf %neg3A_271, %max3A_273 : vector<16xf32>
      %broadcast_in_dim3A_275 = arith.constant -0.00600660499 : f32
      %broadcast_in_dim3A_276 = vector.broadcast %broadcast_in_dim3A_275 : f32 to vector<16xf32>
      %mul3A_277 = arith.mulf %broadcast_in_dim3A_276, %exp3A_267 : vector<16xf32>
      %add3A_278 = arith.constant 3.426460e-02 : f32
      %add3A_279 = vector.broadcast %add3A_278 : f32 to vector<16xf32>
      %add3A_280 = arith.addf %mul3A_277, %add3A_279 : vector<16xf32>
      %mul3A_281 = arith.mulf %add3A_280, %exp3A_267 : vector<16xf32>
      %add3A_282 = arith.constant -0.0922904164 : f32
      %add3A_283 = vector.broadcast %add3A_282 : f32 to vector<16xf32>
      %add3A_284 = arith.addf %mul3A_281, %add3A_283 : vector<16xf32>
      %mul3A_285 = arith.mulf %add3A_284, %exp3A_267 : vector<16xf32>
      %add3A_286 = arith.constant 0.164998129 : f32
      %add3A_287 = vector.broadcast %add3A_286 : f32 to vector<16xf32>
      %add3A_288 = arith.addf %mul3A_285, %add3A_287 : vector<16xf32>
      %mul3A_289 = arith.mulf %add3A_288, %exp3A_267 : vector<16xf32>
      %add3A_290 = arith.constant -0.239433378 : f32
      %add3A_291 = vector.broadcast %add3A_290 : f32 to vector<16xf32>
      %add3A_292 = arith.addf %mul3A_289, %add3A_291 : vector<16xf32>
      %mul3A_293 = arith.mulf %add3A_292, %exp3A_267 : vector<16xf32>
      %add3A_294 = arith.constant 0.331446648 : f32
      %add3A_295 = vector.broadcast %add3A_294 : f32 to vector<16xf32>
      %add3A_296 = arith.addf %mul3A_293, %add3A_295 : vector<16xf32>
      %mul3A_297 = arith.mulf %add3A_296, %exp3A_267 : vector<16xf32>
      %add3A_298 = arith.constant -0.499825507 : f32
      %add3A_299 = vector.broadcast %add3A_298 : f32 to vector<16xf32>
      %add3A_300 = arith.addf %mul3A_297, %add3A_299 : vector<16xf32>
      %mul3A_301 = arith.mulf %add3A_300, %exp3A_267 : vector<16xf32>
      %add3A_302 = arith.constant 0.999993622 : f32
      %add3A_303 = vector.broadcast %add3A_302 : f32 to vector<16xf32>
      %add3A_304 = arith.addf %mul3A_301, %add3A_303 : vector<16xf32>
      %mul3A_305 = arith.mulf %add3A_304, %exp3A_267 : vector<16xf32>
      %add3A_306 = arith.constant 3.91090538E-8 : f32
      %add3A_307 = vector.broadcast %add3A_306 : f32 to vector<16xf32>
      %add3A_308 = arith.addf %mul3A_305, %add3A_307 : vector<16xf32>
      %mul3A_309 = arith.mulf %abs3A_268, %add3A_308 : vector<16xf32>
      %add3A_310 = arith.addf %max3A_274, %mul3A_309 : vector<16xf32>
      %gt3A_311 = arith.constant 1.000000e-01 : f32
      %gt3A_312 = vector.broadcast %gt3A_311 : f32 to vector<16xf32>
      %gt3A_313 = arith.cmpf ogt, %abs3A_268, %gt3A_312 : vector<16xf32>
      %jit3A_314 = arith.constant 1.000000e+00 : f32
      %jit3A_315 = arith.constant 0.000000e+00 : f32
      %broadcast_in_dim3A_316 = vector.broadcast %jit3A_314 : f32 to vector<16xf32>
      %broadcast_in_dim3A_317 = vector.broadcast %jit3A_315 : f32 to vector<16xf32>
      %select_n3A_318 = arith.select %gt3A_313, %broadcast_in_dim3A_316, %broadcast_in_dim3A_317 : vector<16xi1>, vector<16xf32>
      %mul3A_319 = arith.mulf %select_n3A_318, %add3A_310 : vector<16xf32>
      %add3A_320 = arith.addf %scan3A_122, %mul3A_319 : vector<16xf32>
      %add3A_321 = arith.addf %scan3A_130, %select_n3A_318 : vector<16xf32>
      %sub3A_322 = arith.subf %gather3A_58, %get3A_143 : vector<16xf32>
      %sub3A_323 = arith.subf %gather3A_26, %get3A_140 : vector<16xf32>
      %mul3A_324 = arith.mulf %sub3A_322, %sub3A_323 : vector<16xf32>
      %abs3A_325 = math.absf %sub3A_323 : vector<16xf32>
      %neg3A_326 = arith.constant 0.000000e+00 : f32
      %neg3A_327 = vector.broadcast %neg3A_326 : f32 to vector<16xf32>
      %neg3A_328 = arith.subf %neg3A_327, %abs3A_325 : vector<16xf32>
      %exp3A_329 = math.exp %neg3A_328 : vector<16xf32>
      %abs3A_330 = math.absf %sub3A_322 : vector<16xf32>
      %neg3A_331 = arith.constant 0.000000e+00 : f32
      %neg3A_332 = vector.broadcast %neg3A_331 : f32 to vector<16xf32>
      %neg3A_333 = arith.subf %neg3A_332, %mul3A_324 : vector<16xf32>
      %max3A_334 = arith.constant 0.000000e+00 : f32
      %max3A_335 = vector.broadcast %max3A_334 : f32 to vector<16xf32>
      %max3A_336 = arith.maximumf %neg3A_333, %max3A_335 : vector<16xf32>
      %broadcast_in_dim3A_337 = arith.constant -0.00600660499 : f32
      %broadcast_in_dim3A_338 = vector.broadcast %broadcast_in_dim3A_337 : f32 to vector<16xf32>
      %mul3A_339 = arith.mulf %broadcast_in_dim3A_338, %exp3A_329 : vector<16xf32>
      %add3A_340 = arith.constant 3.426460e-02 : f32
      %add3A_341 = vector.broadcast %add3A_340 : f32 to vector<16xf32>
      %add3A_342 = arith.addf %mul3A_339, %add3A_341 : vector<16xf32>
      %mul3A_343 = arith.mulf %add3A_342, %exp3A_329 : vector<16xf32>
      %add3A_344 = arith.constant -0.0922904164 : f32
      %add3A_345 = vector.broadcast %add3A_344 : f32 to vector<16xf32>
      %add3A_346 = arith.addf %mul3A_343, %add3A_345 : vector<16xf32>
      %mul3A_347 = arith.mulf %add3A_346, %exp3A_329 : vector<16xf32>
      %add3A_348 = arith.constant 0.164998129 : f32
      %add3A_349 = vector.broadcast %add3A_348 : f32 to vector<16xf32>
      %add3A_350 = arith.addf %mul3A_347, %add3A_349 : vector<16xf32>
      %mul3A_351 = arith.mulf %add3A_350, %exp3A_329 : vector<16xf32>
      %add3A_352 = arith.constant -0.239433378 : f32
      %add3A_353 = vector.broadcast %add3A_352 : f32 to vector<16xf32>
      %add3A_354 = arith.addf %mul3A_351, %add3A_353 : vector<16xf32>
      %mul3A_355 = arith.mulf %add3A_354, %exp3A_329 : vector<16xf32>
      %add3A_356 = arith.constant 0.331446648 : f32
      %add3A_357 = vector.broadcast %add3A_356 : f32 to vector<16xf32>
      %add3A_358 = arith.addf %mul3A_355, %add3A_357 : vector<16xf32>
      %mul3A_359 = arith.mulf %add3A_358, %exp3A_329 : vector<16xf32>
      %add3A_360 = arith.constant -0.499825507 : f32
      %add3A_361 = vector.broadcast %add3A_360 : f32 to vector<16xf32>
      %add3A_362 = arith.addf %mul3A_359, %add3A_361 : vector<16xf32>
      %mul3A_363 = arith.mulf %add3A_362, %exp3A_329 : vector<16xf32>
      %add3A_364 = arith.constant 0.999993622 : f32
      %add3A_365 = vector.broadcast %add3A_364 : f32 to vector<16xf32>
      %add3A_366 = arith.addf %mul3A_363, %add3A_365 : vector<16xf32>
      %mul3A_367 = arith.mulf %add3A_366, %exp3A_329 : vector<16xf32>
      %add3A_368 = arith.constant 3.91090538E-8 : f32
      %add3A_369 = vector.broadcast %add3A_368 : f32 to vector<16xf32>
      %add3A_370 = arith.addf %mul3A_367, %add3A_369 : vector<16xf32>
      %mul3A_371 = arith.mulf %abs3A_330, %add3A_370 : vector<16xf32>
      %add3A_372 = arith.addf %max3A_336, %mul3A_371 : vector<16xf32>
      %gt3A_373 = arith.constant 1.000000e-01 : f32
      %gt3A_374 = vector.broadcast %gt3A_373 : f32 to vector<16xf32>
      %gt3A_375 = arith.cmpf ogt, %abs3A_330, %gt3A_374 : vector<16xf32>
      %jit3A_376 = arith.constant 1.000000e+00 : f32
      %jit3A_377 = arith.constant 0.000000e+00 : f32
      %broadcast_in_dim3A_378 = vector.broadcast %jit3A_376 : f32 to vector<16xf32>
      %broadcast_in_dim3A_379 = vector.broadcast %jit3A_377 : f32 to vector<16xf32>
      %select_n3A_380 = arith.select %gt3A_375, %broadcast_in_dim3A_378, %broadcast_in_dim3A_379 : vector<16xi1>, vector<16xf32>
      %mul3A_381 = arith.mulf %select_n3A_380, %add3A_372 : vector<16xf32>
      %add3A_382 = arith.addf %scan3A_123, %mul3A_381 : vector<16xf32>
      %add3A_383 = arith.addf %scan3A_131, %select_n3A_380 : vector<16xf32>
      %sub3A_384 = arith.subf %gather3A_62, %get3A_143 : vector<16xf32>
      %sub3A_385 = arith.subf %gather3A_30, %get3A_140 : vector<16xf32>
      %mul3A_386 = arith.mulf %sub3A_384, %sub3A_385 : vector<16xf32>
      %abs3A_387 = math.absf %sub3A_385 : vector<16xf32>
      %neg3A_388 = arith.constant 0.000000e+00 : f32
      %neg3A_389 = vector.broadcast %neg3A_388 : f32 to vector<16xf32>
      %neg3A_390 = arith.subf %neg3A_389, %abs3A_387 : vector<16xf32>
      %exp3A_391 = math.exp %neg3A_390 : vector<16xf32>
      %abs3A_392 = math.absf %sub3A_384 : vector<16xf32>
      %neg3A_393 = arith.constant 0.000000e+00 : f32
      %neg3A_394 = vector.broadcast %neg3A_393 : f32 to vector<16xf32>
      %neg3A_395 = arith.subf %neg3A_394, %mul3A_386 : vector<16xf32>
      %max3A_396 = arith.constant 0.000000e+00 : f32
      %max3A_397 = vector.broadcast %max3A_396 : f32 to vector<16xf32>
      %max3A_398 = arith.maximumf %neg3A_395, %max3A_397 : vector<16xf32>
      %broadcast_in_dim3A_399 = arith.constant -0.00600660499 : f32
      %broadcast_in_dim3A_400 = vector.broadcast %broadcast_in_dim3A_399 : f32 to vector<16xf32>
      %mul3A_401 = arith.mulf %broadcast_in_dim3A_400, %exp3A_391 : vector<16xf32>
      %add3A_402 = arith.constant 3.426460e-02 : f32
      %add3A_403 = vector.broadcast %add3A_402 : f32 to vector<16xf32>
      %add3A_404 = arith.addf %mul3A_401, %add3A_403 : vector<16xf32>
      %mul3A_405 = arith.mulf %add3A_404, %exp3A_391 : vector<16xf32>
      %add3A_406 = arith.constant -0.0922904164 : f32
      %add3A_407 = vector.broadcast %add3A_406 : f32 to vector<16xf32>
      %add3A_408 = arith.addf %mul3A_405, %add3A_407 : vector<16xf32>
      %mul3A_409 = arith.mulf %add3A_408, %exp3A_391 : vector<16xf32>
      %add3A_410 = arith.constant 0.164998129 : f32
      %add3A_411 = vector.broadcast %add3A_410 : f32 to vector<16xf32>
      %add3A_412 = arith.addf %mul3A_409, %add3A_411 : vector<16xf32>
      %mul3A_413 = arith.mulf %add3A_412, %exp3A_391 : vector<16xf32>
      %add3A_414 = arith.constant -0.239433378 : f32
      %add3A_415 = vector.broadcast %add3A_414 : f32 to vector<16xf32>
      %add3A_416 = arith.addf %mul3A_413, %add3A_415 : vector<16xf32>
      %mul3A_417 = arith.mulf %add3A_416, %exp3A_391 : vector<16xf32>
      %add3A_418 = arith.constant 0.331446648 : f32
      %add3A_419 = vector.broadcast %add3A_418 : f32 to vector<16xf32>
      %add3A_420 = arith.addf %mul3A_417, %add3A_419 : vector<16xf32>
      %mul3A_421 = arith.mulf %add3A_420, %exp3A_391 : vector<16xf32>
      %add3A_422 = arith.constant -0.499825507 : f32
      %add3A_423 = vector.broadcast %add3A_422 : f32 to vector<16xf32>
      %add3A_424 = arith.addf %mul3A_421, %add3A_423 : vector<16xf32>
      %mul3A_425 = arith.mulf %add3A_424, %exp3A_391 : vector<16xf32>
      %add3A_426 = arith.constant 0.999993622 : f32
      %add3A_427 = vector.broadcast %add3A_426 : f32 to vector<16xf32>
      %add3A_428 = arith.addf %mul3A_425, %add3A_427 : vector<16xf32>
      %mul3A_429 = arith.mulf %add3A_428, %exp3A_391 : vector<16xf32>
      %add3A_430 = arith.constant 3.91090538E-8 : f32
      %add3A_431 = vector.broadcast %add3A_430 : f32 to vector<16xf32>
      %add3A_432 = arith.addf %mul3A_429, %add3A_431 : vector<16xf32>
      %mul3A_433 = arith.mulf %abs3A_392, %add3A_432 : vector<16xf32>
      %add3A_434 = arith.addf %max3A_398, %mul3A_433 : vector<16xf32>
      %gt3A_435 = arith.constant 1.000000e-01 : f32
      %gt3A_436 = vector.broadcast %gt3A_435 : f32 to vector<16xf32>
      %gt3A_437 = arith.cmpf ogt, %abs3A_392, %gt3A_436 : vector<16xf32>
      %jit3A_438 = arith.constant 1.000000e+00 : f32
      %jit3A_439 = arith.constant 0.000000e+00 : f32
      %broadcast_in_dim3A_440 = vector.broadcast %jit3A_438 : f32 to vector<16xf32>
      %broadcast_in_dim3A_441 = vector.broadcast %jit3A_439 : f32 to vector<16xf32>
      %select_n3A_442 = arith.select %gt3A_437, %broadcast_in_dim3A_440, %broadcast_in_dim3A_441 : vector<16xi1>, vector<16xf32>
      %mul3A_443 = arith.mulf %select_n3A_442, %add3A_434 : vector<16xf32>
      %add3A_444 = arith.addf %scan3A_124, %mul3A_443 : vector<16xf32>
      %add3A_445 = arith.addf %scan3A_132, %select_n3A_442 : vector<16xf32>
      %sub3A_446 = arith.subf %gather3A_66, %get3A_143 : vector<16xf32>
      %sub3A_447 = arith.subf %gather3A_34, %get3A_140 : vector<16xf32>
      %mul3A_448 = arith.mulf %sub3A_446, %sub3A_447 : vector<16xf32>
      %abs3A_449 = math.absf %sub3A_447 : vector<16xf32>
      %neg3A_450 = arith.constant 0.000000e+00 : f32
      %neg3A_451 = vector.broadcast %neg3A_450 : f32 to vector<16xf32>
      %neg3A_452 = arith.subf %neg3A_451, %abs3A_449 : vector<16xf32>
      %exp3A_453 = math.exp %neg3A_452 : vector<16xf32>
      %abs3A_454 = math.absf %sub3A_446 : vector<16xf32>
      %neg3A_455 = arith.constant 0.000000e+00 : f32
      %neg3A_456 = vector.broadcast %neg3A_455 : f32 to vector<16xf32>
      %neg3A_457 = arith.subf %neg3A_456, %mul3A_448 : vector<16xf32>
      %max3A_458 = arith.constant 0.000000e+00 : f32
      %max3A_459 = vector.broadcast %max3A_458 : f32 to vector<16xf32>
      %max3A_460 = arith.maximumf %neg3A_457, %max3A_459 : vector<16xf32>
      %broadcast_in_dim3A_461 = arith.constant -0.00600660499 : f32
      %broadcast_in_dim3A_462 = vector.broadcast %broadcast_in_dim3A_461 : f32 to vector<16xf32>
      %mul3A_463 = arith.mulf %broadcast_in_dim3A_462, %exp3A_453 : vector<16xf32>
      %add3A_464 = arith.constant 3.426460e-02 : f32
      %add3A_465 = vector.broadcast %add3A_464 : f32 to vector<16xf32>
      %add3A_466 = arith.addf %mul3A_463, %add3A_465 : vector<16xf32>
      %mul3A_467 = arith.mulf %add3A_466, %exp3A_453 : vector<16xf32>
      %add3A_468 = arith.constant -0.0922904164 : f32
      %add3A_469 = vector.broadcast %add3A_468 : f32 to vector<16xf32>
      %add3A_470 = arith.addf %mul3A_467, %add3A_469 : vector<16xf32>
      %mul3A_471 = arith.mulf %add3A_470, %exp3A_453 : vector<16xf32>
      %add3A_472 = arith.constant 0.164998129 : f32
      %add3A_473 = vector.broadcast %add3A_472 : f32 to vector<16xf32>
      %add3A_474 = arith.addf %mul3A_471, %add3A_473 : vector<16xf32>
      %mul3A_475 = arith.mulf %add3A_474, %exp3A_453 : vector<16xf32>
      %add3A_476 = arith.constant -0.239433378 : f32
      %add3A_477 = vector.broadcast %add3A_476 : f32 to vector<16xf32>
      %add3A_478 = arith.addf %mul3A_475, %add3A_477 : vector<16xf32>
      %mul3A_479 = arith.mulf %add3A_478, %exp3A_453 : vector<16xf32>
      %add3A_480 = arith.constant 0.331446648 : f32
      %add3A_481 = vector.broadcast %add3A_480 : f32 to vector<16xf32>
      %add3A_482 = arith.addf %mul3A_479, %add3A_481 : vector<16xf32>
      %mul3A_483 = arith.mulf %add3A_482, %exp3A_453 : vector<16xf32>
      %add3A_484 = arith.constant -0.499825507 : f32
      %add3A_485 = vector.broadcast %add3A_484 : f32 to vector<16xf32>
      %add3A_486 = arith.addf %mul3A_483, %add3A_485 : vector<16xf32>
      %mul3A_487 = arith.mulf %add3A_486, %exp3A_453 : vector<16xf32>
      %add3A_488 = arith.constant 0.999993622 : f32
      %add3A_489 = vector.broadcast %add3A_488 : f32 to vector<16xf32>
      %add3A_490 = arith.addf %mul3A_487, %add3A_489 : vector<16xf32>
      %mul3A_491 = arith.mulf %add3A_490, %exp3A_453 : vector<16xf32>
      %add3A_492 = arith.constant 3.91090538E-8 : f32
      %add3A_493 = vector.broadcast %add3A_492 : f32 to vector<16xf32>
      %add3A_494 = arith.addf %mul3A_491, %add3A_493 : vector<16xf32>
      %mul3A_495 = arith.mulf %abs3A_454, %add3A_494 : vector<16xf32>
      %add3A_496 = arith.addf %max3A_460, %mul3A_495 : vector<16xf32>
      %gt3A_497 = arith.constant 1.000000e-01 : f32
      %gt3A_498 = vector.broadcast %gt3A_497 : f32 to vector<16xf32>
      %gt3A_499 = arith.cmpf ogt, %abs3A_454, %gt3A_498 : vector<16xf32>
      %jit3A_500 = arith.constant 1.000000e+00 : f32
      %jit3A_501 = arith.constant 0.000000e+00 : f32
      %broadcast_in_dim3A_502 = vector.broadcast %jit3A_500 : f32 to vector<16xf32>
      %broadcast_in_dim3A_503 = vector.broadcast %jit3A_501 : f32 to vector<16xf32>
      %select_n3A_504 = arith.select %gt3A_499, %broadcast_in_dim3A_502, %broadcast_in_dim3A_503 : vector<16xi1>, vector<16xf32>
      %mul3A_505 = arith.mulf %select_n3A_504, %add3A_496 : vector<16xf32>
      %add3A_506 = arith.addf %scan3A_125, %mul3A_505 : vector<16xf32>
      %add3A_507 = arith.addf %scan3A_133, %select_n3A_504 : vector<16xf32>
      %sub3A_508 = arith.subf %gather3A_70, %get3A_143 : vector<16xf32>
      %sub3A_509 = arith.subf %gather3A_38, %get3A_140 : vector<16xf32>
      %mul3A_510 = arith.mulf %sub3A_508, %sub3A_509 : vector<16xf32>
      %abs3A_511 = math.absf %sub3A_509 : vector<16xf32>
      %neg3A_512 = arith.constant 0.000000e+00 : f32
      %neg3A_513 = vector.broadcast %neg3A_512 : f32 to vector<16xf32>
      %neg3A_514 = arith.subf %neg3A_513, %abs3A_511 : vector<16xf32>
      %exp3A_515 = math.exp %neg3A_514 : vector<16xf32>
      %abs3A_516 = math.absf %sub3A_508 : vector<16xf32>
      %neg3A_517 = arith.constant 0.000000e+00 : f32
      %neg3A_518 = vector.broadcast %neg3A_517 : f32 to vector<16xf32>
      %neg3A_519 = arith.subf %neg3A_518, %mul3A_510 : vector<16xf32>
      %max3A_520 = arith.constant 0.000000e+00 : f32
      %max3A_521 = vector.broadcast %max3A_520 : f32 to vector<16xf32>
      %max3A_522 = arith.maximumf %neg3A_519, %max3A_521 : vector<16xf32>
      %broadcast_in_dim3A_523 = arith.constant -0.00600660499 : f32
      %broadcast_in_dim3A_524 = vector.broadcast %broadcast_in_dim3A_523 : f32 to vector<16xf32>
      %mul3A_525 = arith.mulf %broadcast_in_dim3A_524, %exp3A_515 : vector<16xf32>
      %add3A_526 = arith.constant 3.426460e-02 : f32
      %add3A_527 = vector.broadcast %add3A_526 : f32 to vector<16xf32>
      %add3A_528 = arith.addf %mul3A_525, %add3A_527 : vector<16xf32>
      %mul3A_529 = arith.mulf %add3A_528, %exp3A_515 : vector<16xf32>
      %add3A_530 = arith.constant -0.0922904164 : f32
      %add3A_531 = vector.broadcast %add3A_530 : f32 to vector<16xf32>
      %add3A_532 = arith.addf %mul3A_529, %add3A_531 : vector<16xf32>
      %mul3A_533 = arith.mulf %add3A_532, %exp3A_515 : vector<16xf32>
      %add3A_534 = arith.constant 0.164998129 : f32
      %add3A_535 = vector.broadcast %add3A_534 : f32 to vector<16xf32>
      %add3A_536 = arith.addf %mul3A_533, %add3A_535 : vector<16xf32>
      %mul3A_537 = arith.mulf %add3A_536, %exp3A_515 : vector<16xf32>
      %add3A_538 = arith.constant -0.239433378 : f32
      %add3A_539 = vector.broadcast %add3A_538 : f32 to vector<16xf32>
      %add3A_540 = arith.addf %mul3A_537, %add3A_539 : vector<16xf32>
      %mul3A_541 = arith.mulf %add3A_540, %exp3A_515 : vector<16xf32>
      %add3A_542 = arith.constant 0.331446648 : f32
      %add3A_543 = vector.broadcast %add3A_542 : f32 to vector<16xf32>
      %add3A_544 = arith.addf %mul3A_541, %add3A_543 : vector<16xf32>
      %mul3A_545 = arith.mulf %add3A_544, %exp3A_515 : vector<16xf32>
      %add3A_546 = arith.constant -0.499825507 : f32
      %add3A_547 = vector.broadcast %add3A_546 : f32 to vector<16xf32>
      %add3A_548 = arith.addf %mul3A_545, %add3A_547 : vector<16xf32>
      %mul3A_549 = arith.mulf %add3A_548, %exp3A_515 : vector<16xf32>
      %add3A_550 = arith.constant 0.999993622 : f32
      %add3A_551 = vector.broadcast %add3A_550 : f32 to vector<16xf32>
      %add3A_552 = arith.addf %mul3A_549, %add3A_551 : vector<16xf32>
      %mul3A_553 = arith.mulf %add3A_552, %exp3A_515 : vector<16xf32>
      %add3A_554 = arith.constant 3.91090538E-8 : f32
      %add3A_555 = vector.broadcast %add3A_554 : f32 to vector<16xf32>
      %add3A_556 = arith.addf %mul3A_553, %add3A_555 : vector<16xf32>
      %mul3A_557 = arith.mulf %abs3A_516, %add3A_556 : vector<16xf32>
      %add3A_558 = arith.addf %max3A_522, %mul3A_557 : vector<16xf32>
      %gt3A_559 = arith.constant 1.000000e-01 : f32
      %gt3A_560 = vector.broadcast %gt3A_559 : f32 to vector<16xf32>
      %gt3A_561 = arith.cmpf ogt, %abs3A_516, %gt3A_560 : vector<16xf32>
      %jit3A_562 = arith.constant 1.000000e+00 : f32
      %jit3A_563 = arith.constant 0.000000e+00 : f32
      %broadcast_in_dim3A_564 = vector.broadcast %jit3A_562 : f32 to vector<16xf32>
      %broadcast_in_dim3A_565 = vector.broadcast %jit3A_563 : f32 to vector<16xf32>
      %select_n3A_566 = arith.select %gt3A_561, %broadcast_in_dim3A_564, %broadcast_in_dim3A_565 : vector<16xi1>, vector<16xf32>
      %mul3A_567 = arith.mulf %select_n3A_566, %add3A_558 : vector<16xf32>
      %add3A_568 = arith.addf %scan3A_126, %mul3A_567 : vector<16xf32>
      %add3A_569 = arith.addf %scan3A_134, %select_n3A_566 : vector<16xf32>
      %sub3A_570 = arith.subf %gather3A_74, %get3A_143 : vector<16xf32>
      %sub3A_571 = arith.subf %gather3A_42, %get3A_140 : vector<16xf32>
      %mul3A_572 = arith.mulf %sub3A_570, %sub3A_571 : vector<16xf32>
      %abs3A_573 = math.absf %sub3A_571 : vector<16xf32>
      %neg3A_574 = arith.constant 0.000000e+00 : f32
      %neg3A_575 = vector.broadcast %neg3A_574 : f32 to vector<16xf32>
      %neg3A_576 = arith.subf %neg3A_575, %abs3A_573 : vector<16xf32>
      %exp3A_577 = math.exp %neg3A_576 : vector<16xf32>
      %abs3A_578 = math.absf %sub3A_570 : vector<16xf32>
      %neg3A_579 = arith.constant 0.000000e+00 : f32
      %neg3A_580 = vector.broadcast %neg3A_579 : f32 to vector<16xf32>
      %neg3A_581 = arith.subf %neg3A_580, %mul3A_572 : vector<16xf32>
      %max3A_582 = arith.constant 0.000000e+00 : f32
      %max3A_583 = vector.broadcast %max3A_582 : f32 to vector<16xf32>
      %max3A_584 = arith.maximumf %neg3A_581, %max3A_583 : vector<16xf32>
      %broadcast_in_dim3A_585 = arith.constant -0.00600660499 : f32
      %broadcast_in_dim3A_586 = vector.broadcast %broadcast_in_dim3A_585 : f32 to vector<16xf32>
      %mul3A_587 = arith.mulf %broadcast_in_dim3A_586, %exp3A_577 : vector<16xf32>
      %add3A_588 = arith.constant 3.426460e-02 : f32
      %add3A_589 = vector.broadcast %add3A_588 : f32 to vector<16xf32>
      %add3A_590 = arith.addf %mul3A_587, %add3A_589 : vector<16xf32>
      %mul3A_591 = arith.mulf %add3A_590, %exp3A_577 : vector<16xf32>
      %add3A_592 = arith.constant -0.0922904164 : f32
      %add3A_593 = vector.broadcast %add3A_592 : f32 to vector<16xf32>
      %add3A_594 = arith.addf %mul3A_591, %add3A_593 : vector<16xf32>
      %mul3A_595 = arith.mulf %add3A_594, %exp3A_577 : vector<16xf32>
      %add3A_596 = arith.constant 0.164998129 : f32
      %add3A_597 = vector.broadcast %add3A_596 : f32 to vector<16xf32>
      %add3A_598 = arith.addf %mul3A_595, %add3A_597 : vector<16xf32>
      %mul3A_599 = arith.mulf %add3A_598, %exp3A_577 : vector<16xf32>
      %add3A_600 = arith.constant -0.239433378 : f32
      %add3A_601 = vector.broadcast %add3A_600 : f32 to vector<16xf32>
      %add3A_602 = arith.addf %mul3A_599, %add3A_601 : vector<16xf32>
      %mul3A_603 = arith.mulf %add3A_602, %exp3A_577 : vector<16xf32>
      %add3A_604 = arith.constant 0.331446648 : f32
      %add3A_605 = vector.broadcast %add3A_604 : f32 to vector<16xf32>
      %add3A_606 = arith.addf %mul3A_603, %add3A_605 : vector<16xf32>
      %mul3A_607 = arith.mulf %add3A_606, %exp3A_577 : vector<16xf32>
      %add3A_608 = arith.constant -0.499825507 : f32
      %add3A_609 = vector.broadcast %add3A_608 : f32 to vector<16xf32>
      %add3A_610 = arith.addf %mul3A_607, %add3A_609 : vector<16xf32>
      %mul3A_611 = arith.mulf %add3A_610, %exp3A_577 : vector<16xf32>
      %add3A_612 = arith.constant 0.999993622 : f32
      %add3A_613 = vector.broadcast %add3A_612 : f32 to vector<16xf32>
      %add3A_614 = arith.addf %mul3A_611, %add3A_613 : vector<16xf32>
      %mul3A_615 = arith.mulf %add3A_614, %exp3A_577 : vector<16xf32>
      %add3A_616 = arith.constant 3.91090538E-8 : f32
      %add3A_617 = vector.broadcast %add3A_616 : f32 to vector<16xf32>
      %add3A_618 = arith.addf %mul3A_615, %add3A_617 : vector<16xf32>
      %mul3A_619 = arith.mulf %abs3A_578, %add3A_618 : vector<16xf32>
      %add3A_620 = arith.addf %max3A_584, %mul3A_619 : vector<16xf32>
      %gt3A_621 = arith.constant 1.000000e-01 : f32
      %gt3A_622 = vector.broadcast %gt3A_621 : f32 to vector<16xf32>
      %gt3A_623 = arith.cmpf ogt, %abs3A_578, %gt3A_622 : vector<16xf32>
      %jit3A_624 = arith.constant 1.000000e+00 : f32
      %jit3A_625 = arith.constant 0.000000e+00 : f32
      %broadcast_in_dim3A_626 = vector.broadcast %jit3A_624 : f32 to vector<16xf32>
      %broadcast_in_dim3A_627 = vector.broadcast %jit3A_625 : f32 to vector<16xf32>
      %select_n3A_628 = arith.select %gt3A_623, %broadcast_in_dim3A_626, %broadcast_in_dim3A_627 : vector<16xi1>, vector<16xf32>
      %mul3A_629 = arith.mulf %select_n3A_628, %add3A_620 : vector<16xf32>
      %add3A_630 = arith.addf %scan3A_127, %mul3A_629 : vector<16xf32>
      %add3A_631 = arith.addf %scan3A_135, %select_n3A_628 : vector<16xf32>
      scf.yield %add3A_196, %add3A_258, %add3A_320, %add3A_382, %add3A_444, %add3A_506, %add3A_568, %add3A_630, %add3A_197, %add3A_259, %add3A_321, %add3A_383, %add3A_445, %add3A_507, %add3A_569, %add3A_631 : vector<16xf32>, vector<16xf32>, vector<16xf32>, vector<16xf32>, vector<16xf32>, vector<16xf32>, vector<16xf32>, vector<16xf32>, vector<16xf32>, vector<16xf32>, vector<16xf32>, vector<16xf32>, vector<16xf32>, vector<16xf32>, vector<16xf32>, vector<16xf32>
    }
    %scan3A_80 = arith.constant 256 : i32
    %scan3A_81 = arith.constant 1 : i32
    %add3A_82 = arith.addf %scan3A_79#0, %scan3A_79#1 : vector<16xf32>
    %add3A_83 = arith.addf %scan3A_79#8, %scan3A_79#9 : vector<16xf32>
    %add3A_84 = arith.addf %add3A_82, %scan3A_79#2 : vector<16xf32>
    %add3A_85 = arith.addf %add3A_83, %scan3A_79#10 : vector<16xf32>
    %add3A_86 = arith.addf %add3A_84, %scan3A_79#3 : vector<16xf32>
    %add3A_87 = arith.addf %add3A_85, %scan3A_79#11 : vector<16xf32>
    %add3A_88 = arith.addf %add3A_86, %scan3A_79#4 : vector<16xf32>
    %add3A_89 = arith.addf %add3A_87, %scan3A_79#12 : vector<16xf32>
    %add3A_90 = arith.addf %add3A_88, %scan3A_79#5 : vector<16xf32>
    %add3A_91 = arith.addf %add3A_89, %scan3A_79#13 : vector<16xf32>
    %add3A_92 = arith.addf %add3A_90, %scan3A_79#6 : vector<16xf32>
    %add3A_93 = arith.addf %add3A_91, %scan3A_79#14 : vector<16xf32>
    %add3A_94 = arith.addf %add3A_92, %scan3A_79#7 : vector<16xf32>
    %add3A_95 = arith.addf %add3A_93, %scan3A_79#15 : vector<16xf32>
    %scan3A_96 = arith.constant 0 : i32
    %scan3A_97 = arith.constant 0 : i32
    %scan3A_98 = arith.addi %scan3A_96, %scan3A_97 : i32
    %scan3A_99 = arith.constant 0 : i32
    %swap3A = arith.constant 0 : i32
    %swap3A_100 = arith.index_cast %swap3A : i32 to index
    %swap3A_101 = arith.constant 0 : index
    %swap3A_102 = tpu.vector_load %arg9[%swap3A_100, %swap3A_101] {strides = array<i32>} : memref<3x16xf32, #tpu.memory_space<vmem>>, vector<1x16xf32>,
    %swap3A_103 = vector.shape_cast %swap3A_102 : vector<1x16xf32> to vector<16xf32>
    %swap3A_104 = vector.shape_cast %add3A_94 : vector<16xf32> to vector<1x16xf32>
    tpu.vector_store %arg9[%swap3A_100, %swap3A_101], %swap3A_104 {strides = array<i32>} : memref<3x16xf32, #tpu.memory_space<vmem>>, vector<1x16xf32>,
    %swap3A_105 = arith.constant 1 : i32
    %swap3A_106 = arith.index_cast %swap3A_105 : i32 to index
    %swap3A_107 = arith.constant 0 : index
    %swap3A_108 = tpu.vector_load %arg9[%swap3A_106, %swap3A_107] {strides = array<i32>} : memref<3x16xf32, #tpu.memory_space<vmem>>, vector<1x16xf32>,
    %swap3A_109 = vector.shape_cast %swap3A_108 : vector<1x16xf32> to vector<16xf32>
    %swap3A_110 = vector.shape_cast %add3A_95 : vector<16xf32> to vector<1x16xf32>
    tpu.vector_store %arg9[%swap3A_106, %swap3A_107], %swap3A_110 {strides = array<i32>} : memref<3x16xf32, #tpu.memory_space<vmem>>, vector<1x16xf32>,
    %swap3A_111 = arith.constant 2 : i32
    %swap3A_112 = arith.index_cast %swap3A_111 : i32 to index
    %swap3A_113 = arith.constant 0 : index
    %swap3A_114 = tpu.vector_load %arg9[%swap3A_112, %swap3A_113] {strides = array<i32>} : memref<3x16xf32, #tpu.memory_space<vmem>>, vector<1x16xf32>,
    %swap3A_115 = vector.shape_cast %swap3A_114 : vector<1x16xf32> to vector<16xf32>
    %swap3A_116 = vector.shape_cast %broadcast_in_dim3A_3 : vector<16xf32> to vector<1x16xf32>
    tpu.vector_store %arg9[%swap3A_112, %swap3A_113], %swap3A_116 {strides = array<i32>} : memref<3x16xf32, #tpu.memory_space<vmem>>, vector<1x16xf32>,
    %run_scoped3A = arith.constant 0 : i32
    "tpu.region"() ({
      %run_scoped3A_119 = tpu.sem_alloc : memref<!tpu.dma_semaphore, #tpu.memory_space<semaphore_mem>>
      %dma_start3A = arith.constant 0 : i32
      %dma_start3A_120 = tpu.memref_slice %arg9[%run_scoped3A, %dma_start3A] : memref<3x16xf32, #tpu.memory_space<vmem>> -> memref<1x16xf32, #tpu.memory_space<vmem>>
      %dma_start3A_121 = tpu.memref_squeeze %dma_start3A_120 : memref<1x16xf32, #tpu.memory_space<vmem>> -> memref<16xf32, #tpu.memory_space<vmem>>
      %dma_start3A_122 = arith.constant 0 : i32
      %dma_start3A_123 = tpu.memref_slice %arg4[%add3A, %dma_start3A_122] : memref<32x16xf32, #tpu.memory_space<hbm>> -> memref<1x16xf32, #tpu.memory_space<hbm>>
      %dma_start3A_124 = tpu.memref_squeeze %dma_start3A_123 : memref<1x16xf32, #tpu.memory_space<hbm>> -> memref<16xf32, #tpu.memory_space<hbm>>
      %dma_start3A_125 = arith.constant 0 : i32
      %dma_start3A_126 = tpu.memref_slice %arg4[%add3A, %dma_start3A_125] : memref<32x16xf32, #tpu.memory_space<hbm>> -> memref<1x16xf32, #tpu.memory_space<hbm>>
      %dma_start3A_127 = tpu.memref_squeeze %dma_start3A_126 : memref<1x16xf32, #tpu.memory_space<hbm>> -> memref<16xf32, #tpu.memory_space<hbm>>
      %dma_start3A_128 = arith.constant 0 : i32
      %dma_start3A_129 = tpu.memref_slice %arg9[%run_scoped3A, %dma_start3A_128] : memref<3x16xf32, #tpu.memory_space<vmem>> -> memref<1x16xf32, #tpu.memory_space<vmem>>
      %dma_start3A_130 = tpu.memref_squeeze %dma_start3A_129 : memref<1x16xf32, #tpu.memory_space<vmem>> -> memref<16xf32, #tpu.memory_space<vmem>>
      tpu.enqueue_dma source(%dma_start3A_130 : memref<16xf32, #tpu.memory_space<vmem>>) target(%dma_start3A_127 : memref<16xf32, #tpu.memory_space<hbm>>) target_semaphore(%run_scoped3A_119 : memref<!tpu.dma_semaphore, #tpu.memory_space<semaphore_mem>>)
      %dma_wait3A = arith.constant 0 : i32
      %dma_wait3A_131 = tpu.memref_slice %arg9[%run_scoped3A, %dma_wait3A] : memref<3x16xf32, #tpu.memory_space<vmem>> -> memref<1x16xf32, #tpu.memory_space<vmem>>
      %dma_wait3A_132 = tpu.memref_squeeze %dma_wait3A_131 : memref<1x16xf32, #tpu.memory_space<vmem>> -> memref<16xf32, #tpu.memory_space<vmem>>
      %dma_wait3A_133 = arith.constant 0 : i32
      %dma_wait3A_134 = tpu.memref_slice %arg4[%add3A, %dma_wait3A_133] : memref<32x16xf32, #tpu.memory_space<hbm>> -> memref<1x16xf32, #tpu.memory_space<hbm>>
      %dma_wait3A_135 = tpu.memref_squeeze %dma_wait3A_134 : memref<1x16xf32, #tpu.memory_space<hbm>> -> memref<16xf32, #tpu.memory_space<hbm>>
      %dma_wait3A_136 = arith.constant 0 : i32
      %dma_wait3A_137 = tpu.memref_slice %arg4[%add3A, %dma_wait3A_136] : memref<32x16xf32, #tpu.memory_space<hbm>> -> memref<1x16xf32, #tpu.memory_space<hbm>>
      %dma_wait3A_138 = tpu.memref_squeeze %dma_wait3A_137 : memref<1x16xf32, #tpu.memory_space<hbm>> -> memref<16xf32, #tpu.memory_space<hbm>>
      %dma_wait3A_139 = arith.constant 0 : i32
      %dma_wait3A_140 = tpu.memref_slice %arg9[%run_scoped3A, %dma_wait3A_139] : memref<3x16xf32, #tpu.memory_space<vmem>> -> memref<1x16xf32, #tpu.memory_space<vmem>>
      %dma_wait3A_141 = tpu.memref_squeeze %dma_wait3A_140 : memref<1x16xf32, #tpu.memory_space<vmem>> -> memref<16xf32, #tpu.memory_space<vmem>>
      tpu.wait_dma2 semaphore(%run_scoped3A_119 : memref<!tpu.dma_semaphore, #tpu.memory_space<semaphore_mem>>) src(%dma_wait3A_141 : memref<16xf32, #tpu.memory_space<vmem>>) dst(%dma_wait3A_138 : memref<16xf32, #tpu.memory_space<hbm>>)
      tpu.yield
    }) : () -> ()
    %run_scoped3A_117 = arith.constant 1 : i32
    "tpu.region"() ({
      %run_scoped3A_119 = tpu.sem_alloc : memref<!tpu.dma_semaphore, #tpu.memory_space<semaphore_mem>>
      %dma_start3A = arith.constant 0 : i32
      %dma_start3A_120 = tpu.memref_slice %arg9[%run_scoped3A_117, %dma_start3A] : memref<3x16xf32, #tpu.memory_space<vmem>> -> memref<1x16xf32, #tpu.memory_space<vmem>>
      %dma_start3A_121 = tpu.memref_squeeze %dma_start3A_120 : memref<1x16xf32, #tpu.memory_space<vmem>> -> memref<16xf32, #tpu.memory_space<vmem>>
      %dma_start3A_122 = arith.constant 0 : i32
      %dma_start3A_123 = tpu.memref_slice %arg5[%add3A, %dma_start3A_122] : memref<32x16xf32, #tpu.memory_space<hbm>> -> memref<1x16xf32, #tpu.memory_space<hbm>>
      %dma_start3A_124 = tpu.memref_squeeze %dma_start3A_123 : memref<1x16xf32, #tpu.memory_space<hbm>> -> memref<16xf32, #tpu.memory_space<hbm>>
      %dma_start3A_125 = arith.constant 0 : i32
      %dma_start3A_126 = tpu.memref_slice %arg5[%add3A, %dma_start3A_125] : memref<32x16xf32, #tpu.memory_space<hbm>> -> memref<1x16xf32, #tpu.memory_space<hbm>>
      %dma_start3A_127 = tpu.memref_squeeze %dma_start3A_126 : memref<1x16xf32, #tpu.memory_space<hbm>> -> memref<16xf32, #tpu.memory_space<hbm>>
      %dma_start3A_128 = arith.constant 0 : i32
      %dma_start3A_129 = tpu.memref_slice %arg9[%run_scoped3A_117, %dma_start3A_128] : memref<3x16xf32, #tpu.memory_space<vmem>> -> memref<1x16xf32, #tpu.memory_space<vmem>>
      %dma_start3A_130 = tpu.memref_squeeze %dma_start3A_129 : memref<1x16xf32, #tpu.memory_space<vmem>> -> memref<16xf32, #tpu.memory_space<vmem>>
      tpu.enqueue_dma source(%dma_start3A_130 : memref<16xf32, #tpu.memory_space<vmem>>) target(%dma_start3A_127 : memref<16xf32, #tpu.memory_space<hbm>>) target_semaphore(%run_scoped3A_119 : memref<!tpu.dma_semaphore, #tpu.memory_space<semaphore_mem>>)
      %dma_wait3A = arith.constant 0 : i32
      %dma_wait3A_131 = tpu.memref_slice %arg9[%run_scoped3A_117, %dma_wait3A] : memref<3x16xf32, #tpu.memory_space<vmem>> -> memref<1x16xf32, #tpu.memory_space<vmem>>
      %dma_wait3A_132 = tpu.memref_squeeze %dma_wait3A_131 : memref<1x16xf32, #tpu.memory_space<vmem>> -> memref<16xf32, #tpu.memory_space<vmem>>
      %dma_wait3A_133 = arith.constant 0 : i32
      %dma_wait3A_134 = tpu.memref_slice %arg5[%add3A, %dma_wait3A_133] : memref<32x16xf32, #tpu.memory_space<hbm>> -> memref<1x16xf32, #tpu.memory_space<hbm>>
      %dma_wait3A_135 = tpu.memref_squeeze %dma_wait3A_134 : memref<1x16xf32, #tpu.memory_space<hbm>> -> memref<16xf32, #tpu.memory_space<hbm>>
      %dma_wait3A_136 = arith.constant 0 : i32
      %dma_wait3A_137 = tpu.memref_slice %arg5[%add3A, %dma_wait3A_136] : memref<32x16xf32, #tpu.memory_space<hbm>> -> memref<1x16xf32, #tpu.memory_space<hbm>>
      %dma_wait3A_138 = tpu.memref_squeeze %dma_wait3A_137 : memref<1x16xf32, #tpu.memory_space<hbm>> -> memref<16xf32, #tpu.memory_space<hbm>>
      %dma_wait3A_139 = arith.constant 0 : i32
      %dma_wait3A_140 = tpu.memref_slice %arg9[%run_scoped3A_117, %dma_wait3A_139] : memref<3x16xf32, #tpu.memory_space<vmem>> -> memref<1x16xf32, #tpu.memory_space<vmem>>
      %dma_wait3A_141 = tpu.memref_squeeze %dma_wait3A_140 : memref<1x16xf32, #tpu.memory_space<vmem>> -> memref<16xf32, #tpu.memory_space<vmem>>
      tpu.wait_dma2 semaphore(%run_scoped3A_119 : memref<!tpu.dma_semaphore, #tpu.memory_space<semaphore_mem>>) src(%dma_wait3A_141 : memref<16xf32, #tpu.memory_space<vmem>>) dst(%dma_wait3A_138 : memref<16xf32, #tpu.memory_space<hbm>>)
      tpu.yield
    }) : () -> ()
    %run_scoped3A_118 = arith.constant 2 : i32
    "tpu.region"() ({
      %run_scoped3A_119 = tpu.sem_alloc : memref<!tpu.dma_semaphore, #tpu.memory_space<semaphore_mem>>
      %dma_start3A = arith.constant 0 : i32
      %dma_start3A_120 = tpu.memref_slice %arg9[%run_scoped3A_118, %dma_start3A] : memref<3x16xf32, #tpu.memory_space<vmem>> -> memref<1x16xf32, #tpu.memory_space<vmem>>
      %dma_start3A_121 = tpu.memref_squeeze %dma_start3A_120 : memref<1x16xf32, #tpu.memory_space<vmem>> -> memref<16xf32, #tpu.memory_space<vmem>>
      %dma_start3A_122 = arith.constant 0 : i32
      %dma_start3A_123 = tpu.memref_slice %arg6[%add3A, %dma_start3A_122] : memref<32x16xf32, #tpu.memory_space<hbm>> -> memref<1x16xf32, #tpu.memory_space<hbm>>
      %dma_start3A_124 = tpu.memref_squeeze %dma_start3A_123 : memref<1x16xf32, #tpu.memory_space<hbm>> -> memref<16xf32, #tpu.memory_space<hbm>>
      %dma_start3A_125 = arith.constant 0 : i32
      %dma_start3A_126 = tpu.memref_slice %arg6[%add3A, %dma_start3A_125] : memref<32x16xf32, #tpu.memory_space<hbm>> -> memref<1x16xf32, #tpu.memory_space<hbm>>
      %dma_start3A_127 = tpu.memref_squeeze %dma_start3A_126 : memref<1x16xf32, #tpu.memory_space<hbm>> -> memref<16xf32, #tpu.memory_space<hbm>>
      %dma_start3A_128 = arith.constant 0 : i32
      %dma_start3A_129 = tpu.memref_slice %arg9[%run_scoped3A_118, %dma_start3A_128] : memref<3x16xf32, #tpu.memory_space<vmem>> -> memref<1x16xf32, #tpu.memory_space<vmem>>
      %dma_start3A_130 = tpu.memref_squeeze %dma_start3A_129 : memref<1x16xf32, #tpu.memory_space<vmem>> -> memref<16xf32, #tpu.memory_space<vmem>>
      tpu.enqueue_dma source(%dma_start3A_130 : memref<16xf32, #tpu.memory_space<vmem>>) target(%dma_start3A_127 : memref<16xf32, #tpu.memory_space<hbm>>) target_semaphore(%run_scoped3A_119 : memref<!tpu.dma_semaphore, #tpu.memory_space<semaphore_mem>>)
      %dma_wait3A = arith.constant 0 : i32
      %dma_wait3A_131 = tpu.memref_slice %arg9[%run_scoped3A_118, %dma_wait3A] : memref<3x16xf32, #tpu.memory_space<vmem>> -> memref<1x16xf32, #tpu.memory_space<vmem>>
      %dma_wait3A_132 = tpu.memref_squeeze %dma_wait3A_131 : memref<1x16xf32, #tpu.memory_space<vmem>> -> memref<16xf32, #tpu.memory_space<vmem>>
      %dma_wait3A_133 = arith.constant 0 : i32
      %dma_wait3A_134 = tpu.memref_slice %arg6[%add3A, %dma_wait3A_133] : memref<32x16xf32, #tpu.memory_space<hbm>> -> memref<1x16xf32, #tpu.memory_space<hbm>>
      %dma_wait3A_135 = tpu.memref_squeeze %dma_wait3A_134 : memref<1x16xf32, #tpu.memory_space<hbm>> -> memref<16xf32, #tpu.memory_space<hbm>>
      %dma_wait3A_136 = arith.constant 0 : i32
      %dma_wait3A_137 = tpu.memref_slice %arg6[%add3A, %dma_wait3A_136] : memref<32x16xf32, #tpu.memory_space<hbm>> -> memref<1x16xf32, #tpu.memory_space<hbm>>
      %dma_wait3A_138 = tpu.memref_squeeze %dma_wait3A_137 : memref<1x16xf32, #tpu.memory_space<hbm>> -> memref<16xf32, #tpu.memory_space<hbm>>
      %dma_wait3A_139 = arith.constant 0 : i32
      %dma_wait3A_140 = tpu.memref_slice %arg9[%run_scoped3A_118, %dma_wait3A_139] : memref<3x16xf32, #tpu.memory_space<vmem>> -> memref<1x16xf32, #tpu.memory_space<vmem>>
      %dma_wait3A_141 = tpu.memref_squeeze %dma_wait3A_140 : memref<1x16xf32, #tpu.memory_space<vmem>> -> memref<16xf32, #tpu.memory_space<vmem>>
      tpu.wait_dma2 semaphore(%run_scoped3A_119 : memref<!tpu.dma_semaphore, #tpu.memory_space<semaphore_mem>>) src(%dma_wait3A_141 : memref<16xf32, #tpu.memory_space<vmem>>) dst(%dma_wait3A_138 : memref<16xf32, #tpu.memory_space<hbm>>)
      tpu.yield
    }) : () -> ()
    return
  }
}

module attributes {stable_mosaic.version = 14 : i64} {
  func.func @_mserank_tile(%arg0: i32, %arg1: i32, %arg2: memref<256x1xf32, #tpu.memory_space<vmem>>, %arg3: memref<256x1xf32, #tpu.memory_space<vmem>>, %arg4: memref<1x1024xf32, #tpu.memory_space<vmem>>, %arg5: memref<1x1024xf32, #tpu.memory_space<vmem>>, %arg6: memref<1x1xf32, #tpu.memory_space<vmem>>, %arg7: memref<1x1xf32, #tpu.memory_space<vmem>>, %arg8: memref<1x1xf32, #tpu.memory_space<vmem>>) attributes {dimension_semantics = [#tpu.dimension_semantics<arbitrary>, #tpu.dimension_semantics<arbitrary>], iteration_bounds = array<i64: 15, 4>, scalar_prefetch = 0 : i64, scratch_operands = 0 : i64, tpu.core_type = #tpu.core_type<tc>, window_params = [{transform_indices = @transform_0, window_bounds = array<i64: 256, 1>}, {transform_indices = @transform_1, window_bounds = array<i64: 256, 1>}, {transform_indices = @transform_2, window_bounds = array<i64: 1, 1024>}, {transform_indices = @transform_3, window_bounds = array<i64: 1, 1024>}, {pipeline_mode = #tpu.pipeline_mode<synchronous>, transform_indices = @transform_4, window_bounds = array<i64: 1, 1>}, {pipeline_mode = #tpu.pipeline_mode<synchronous>, transform_indices = @transform_5, window_bounds = array<i64: 1, 1>}, {pipeline_mode = #tpu.pipeline_mode<synchronous>, transform_indices = @transform_6, window_bounds = array<i64: 1, 1>}]} {
    %eq3A = arith.constant 0 : i32
    %eq3A_0 = arith.cmpi eq, %arg0, %eq3A : i32
    %eq3A_1 = arith.constant 0 : i32
    %eq3A_2 = arith.cmpi eq, %arg1, %eq3A_1 : i32
    %and3A = arith.andi %eq3A_0, %eq3A_2 : i1
    %convert_element_type3A = arith.extui %and3A : i1 to i32
    %cond3A = arith.constant 0 : i32
    %cond3A_3 = arith.cmpi ne, %convert_element_type3A, %cond3A : i32
    scf.if %cond3A_3 {
      %broadcast_in_dim3A_63 = arith.constant 0.000000e+00 : f32
      %broadcast_in_dim3A_64 = vector.broadcast %broadcast_in_dim3A_63 : f32 to vector<1x1xf32>
      %swap3A_65 = arith.constant 0 : index
      %swap3A_66 = arith.constant 0 : index
      %swap3A_67 = vector.load %arg6[%swap3A_65, %swap3A_66] : memref<1x1xf32, #tpu.memory_space<vmem>>, vector<1x1xf32>
      tpu.vector_store %arg6[%swap3A_65, %swap3A_66], %broadcast_in_dim3A_64 {strides = array<i32>} : memref<1x1xf32, #tpu.memory_space<vmem>>, vector<1x1xf32>,
      %broadcast_in_dim3A_68 = arith.constant 0.000000e+00 : f32
      %broadcast_in_dim3A_69 = vector.broadcast %broadcast_in_dim3A_68 : f32 to vector<1x1xf32>
      %swap3A_70 = arith.constant 0 : index
      %swap3A_71 = arith.constant 0 : index
      %swap3A_72 = vector.load %arg7[%swap3A_70, %swap3A_71] : memref<1x1xf32, #tpu.memory_space<vmem>>, vector<1x1xf32>
      tpu.vector_store %arg7[%swap3A_70, %swap3A_71], %broadcast_in_dim3A_69 {strides = array<i32>} : memref<1x1xf32, #tpu.memory_space<vmem>>, vector<1x1xf32>,
      %broadcast_in_dim3A_73 = arith.constant 0.000000e+00 : f32
      %broadcast_in_dim3A_74 = vector.broadcast %broadcast_in_dim3A_73 : f32 to vector<1x1xf32>
      %swap3A_75 = arith.constant 0 : index
      %swap3A_76 = arith.constant 0 : index
      %swap3A_77 = vector.load %arg8[%swap3A_75, %swap3A_76] : memref<1x1xf32, #tpu.memory_space<vmem>>, vector<1x1xf32>
      tpu.vector_store %arg8[%swap3A_75, %swap3A_76], %broadcast_in_dim3A_74 {strides = array<i32>} : memref<1x1xf32, #tpu.memory_space<vmem>>, vector<1x1xf32>,
    } else {
    }
    %get3A = arith.constant 0 : index
    %get3A_4 = arith.constant 0 : index
    %get3A_5 = vector.load %arg2[%get3A, %get3A_4] : memref<256x1xf32, #tpu.memory_space<vmem>>, vector<256x1xf32>
    %get3A_6 = arith.constant 0 : index
    %get3A_7 = arith.constant 0 : index
    %get3A_8 = vector.load %arg3[%get3A_6, %get3A_7] : memref<256x1xf32, #tpu.memory_space<vmem>>, vector<256x1xf32>
    %get3A_9 = arith.constant 0 : index
    %get3A_10 = arith.constant 0 : index
    %get3A_11 = vector.load %arg4[%get3A_9, %get3A_10] : memref<1x1024xf32, #tpu.memory_space<vmem>>, vector<1x1024xf32>
    %get3A_12 = arith.constant 0 : index
    %get3A_13 = arith.constant 0 : index
    %get3A_14 = vector.load %arg5[%get3A_12, %get3A_13] : memref<1x1024xf32, #tpu.memory_space<vmem>>, vector<1x1024xf32>
    %sub3A = vector.broadcast %get3A_8 : vector<256x1xf32> to vector<256x1024xf32>
    %sub3A_15 = vector.broadcast %get3A_14 : vector<1x1024xf32> to vector<256x1024xf32>
    %sub3A_16 = arith.subf %sub3A, %sub3A_15 : vector<256x1024xf32>
    %sub3A_17 = vector.broadcast %get3A_5 : vector<256x1xf32> to vector<256x1024xf32>
    %sub3A_18 = vector.broadcast %get3A_11 : vector<1x1024xf32> to vector<256x1024xf32>
    %sub3A_19 = arith.subf %sub3A_17, %sub3A_18 : vector<256x1024xf32>
    %abs3A = math.absf %sub3A_16 : vector<256x1024xf32>
    %neg3A = arith.constant 0.000000e+00 : f32
    %neg3A_20 = vector.broadcast %neg3A : f32 to vector<256x1024xf32>
    %neg3A_21 = arith.subf %neg3A_20, %sub3A_16 : vector<256x1024xf32>
    %mul3A = arith.mulf %neg3A_21, %sub3A_19 : vector<256x1024xf32>
    %max3A = arith.constant 0.000000e+00 : f32
    %max3A_22 = vector.broadcast %max3A : f32 to vector<256x1024xf32>
    %max3A_23 = arith.maximumf %mul3A, %max3A_22 : vector<256x1024xf32>
    %abs3A_24 = math.absf %sub3A_19 : vector<256x1024xf32>
    %neg3A_25 = arith.constant 0.000000e+00 : f32
    %neg3A_26 = vector.broadcast %neg3A_25 : f32 to vector<256x1024xf32>
    %neg3A_27 = arith.subf %neg3A_26, %abs3A_24 : vector<256x1024xf32>
    %exp3A = math.exp %neg3A_27 : vector<256x1024xf32>
    %log1p3A = math.log1p %exp3A : vector<256x1024xf32>
    %mul3A_28 = arith.mulf %abs3A, %log1p3A : vector<256x1024xf32>
    %add3A = arith.addf %max3A_23, %mul3A_28 : vector<256x1024xf32>
    %gt3A = arith.constant 1.000000e-01 : f32
    %gt3A_29 = vector.broadcast %gt3A : f32 to vector<256x1024xf32>
    %gt3A_30 = arith.cmpf ogt, %abs3A, %gt3A_29 : vector<256x1024xf32>
    %jit3A = arith.constant 1.000000e+00 : f32
    %jit3A_31 = arith.constant 0.000000e+00 : f32
    %broadcast_in_dim3A = vector.broadcast %jit3A : f32 to vector<256x1024xf32>
    %broadcast_in_dim3A_32 = vector.broadcast %jit3A_31 : f32 to vector<256x1024xf32>
    %select_n3A = arith.select %gt3A_30, %broadcast_in_dim3A, %broadcast_in_dim3A_32 : vector<256x1024xi1>, vector<256x1024xf32>
    %get3A_33 = arith.constant 0 : index
    %get3A_34 = arith.constant 0 : index
    %get3A_35 = vector.load %arg6[%get3A_33, %get3A_34] : memref<1x1xf32, #tpu.memory_space<vmem>>, vector<1x1xf32>
    %mul3A_36 = arith.mulf %select_n3A, %add3A : vector<256x1024xf32>
    %reduce_sum3A = vector.shape_cast %mul3A_36 : vector<256x1024xf32> to vector<1x256x1024xf32>
    %reduce_sum3A_37 = arith.constant dense<0.000000e+00> : vector<1xf32>
    %reduce_sum3A_38 = vector.multi_reduction <add>, %reduce_sum3A, %reduce_sum3A_37 [1, 2] : vector<1x256x1024xf32> to vector<1xf32>
    %reduce_sum3A_39 = vector.shape_cast %reduce_sum3A_38 : vector<1xf32> to vector<1x1x1xf32>
    %reduce_sum3A_40 = vector.extract %reduce_sum3A_39[0, 0, 0] : f32 from vector<1x1x1xf32>
    %broadcast_in_dim3A_41 = vector.broadcast %reduce_sum3A_40 : f32 to vector<1x1xf32>
    %add3A_42 = arith.addf %get3A_35, %broadcast_in_dim3A_41 : vector<1x1xf32>
    %swap3A = arith.constant 0 : index
    %swap3A_43 = arith.constant 0 : index
    %swap3A_44 = vector.load %arg6[%swap3A, %swap3A_43] : memref<1x1xf32, #tpu.memory_space<vmem>>, vector<1x1xf32>
    tpu.vector_store %arg6[%swap3A, %swap3A_43], %add3A_42 {strides = array<i32>} : memref<1x1xf32, #tpu.memory_space<vmem>>, vector<1x1xf32>,
    %get3A_45 = arith.constant 0 : index
    %get3A_46 = arith.constant 0 : index
    %get3A_47 = vector.load %arg7[%get3A_45, %get3A_46] : memref<1x1xf32, #tpu.memory_space<vmem>>, vector<1x1xf32>
    %reduce_sum3A_48 = vector.shape_cast %select_n3A : vector<256x1024xf32> to vector<1x256x1024xf32>
    %reduce_sum3A_49 = arith.constant dense<0.000000e+00> : vector<1xf32>
    %reduce_sum3A_50 = vector.multi_reduction <add>, %reduce_sum3A_48, %reduce_sum3A_49 [1, 2] : vector<1x256x1024xf32> to vector<1xf32>
    %reduce_sum3A_51 = vector.shape_cast %reduce_sum3A_50 : vector<1xf32> to vector<1x1x1xf32>
    %reduce_sum3A_52 = vector.extract %reduce_sum3A_51[0, 0, 0] : f32 from vector<1x1x1xf32>
    %broadcast_in_dim3A_53 = vector.broadcast %reduce_sum3A_52 : f32 to vector<1x1xf32>
    %add3A_54 = arith.addf %get3A_47, %broadcast_in_dim3A_53 : vector<1x1xf32>
    %swap3A_55 = arith.constant 0 : index
    %swap3A_56 = arith.constant 0 : index
    %swap3A_57 = vector.load %arg7[%swap3A_55, %swap3A_56] : memref<1x1xf32, #tpu.memory_space<vmem>>, vector<1x1xf32>
    tpu.vector_store %arg7[%swap3A_55, %swap3A_56], %add3A_54 {strides = array<i32>} : memref<1x1xf32, #tpu.memory_space<vmem>>, vector<1x1xf32>,
    %eq3A_58 = arith.constant 0 : i32
    %eq3A_59 = arith.cmpi eq, %arg1, %eq3A_58 : i32
    %convert_element_type3A_60 = arith.extui %eq3A_59 : i1 to i32
    %cond3A_61 = arith.constant 0 : i32
    %cond3A_62 = arith.cmpi ne, %convert_element_type3A_60, %cond3A_61 : i32
    scf.if %cond3A_62 {
      %sub3A_63 = arith.subf %get3A_5, %get3A_8 : vector<256x1xf32>
      %get3A_64 = arith.constant 0 : index
      %get3A_65 = arith.constant 0 : index
      %get3A_66 = vector.load %arg8[%get3A_64, %get3A_65] : memref<1x1xf32, #tpu.memory_space<vmem>>, vector<1x1xf32>
      %mul3A_67 = arith.mulf %sub3A_63, %sub3A_63 : vector<256x1xf32>
      %reduce_sum3A_68 = vector.shape_cast %mul3A_67 : vector<256x1xf32> to vector<1x256x1xf32>
      %reduce_sum3A_69 = arith.constant dense<0.000000e+00> : vector<1xf32>
      %reduce_sum3A_70 = vector.multi_reduction <add>, %reduce_sum3A_68, %reduce_sum3A_69 [1, 2] : vector<1x256x1xf32> to vector<1xf32>
      %reduce_sum3A_71 = vector.shape_cast %reduce_sum3A_70 : vector<1xf32> to vector<1x1x1xf32>
      %reduce_sum3A_72 = vector.extract %reduce_sum3A_71[0, 0, 0] : f32 from vector<1x1x1xf32>
      %broadcast_in_dim3A_73 = vector.broadcast %reduce_sum3A_72 : f32 to vector<1x1xf32>
      %add3A_74 = arith.addf %get3A_66, %broadcast_in_dim3A_73 : vector<1x1xf32>
      %swap3A_75 = arith.constant 0 : index
      %swap3A_76 = arith.constant 0 : index
      %swap3A_77 = vector.load %arg8[%swap3A_75, %swap3A_76] : memref<1x1xf32, #tpu.memory_space<vmem>>, vector<1x1xf32>
      tpu.vector_store %arg8[%swap3A_75, %swap3A_76], %add3A_74 {strides = array<i32>} : memref<1x1xf32, #tpu.memory_space<vmem>>, vector<1x1xf32>,
    } else {
    }
    return
  }
  func.func @transform_0(%arg0: i32, %arg1: i32) -> (i32, i32) {
    %c0_i32 = arith.constant 0 : i32
    %c0_i32_0 = arith.constant 0 : i32
    return %arg0, %c0_i32 : i32, i32
  }
  func.func @transform_1(%arg0: i32, %arg1: i32) -> (i32, i32) {
    %c0_i32 = arith.constant 0 : i32
    %c0_i32_0 = arith.constant 0 : i32
    return %arg0, %c0_i32 : i32, i32
  }
  func.func @transform_2(%arg0: i32, %arg1: i32) -> (i32, i32) {
    %c0_i32 = arith.constant 0 : i32
    %c0_i32_0 = arith.constant 0 : i32
    return %c0_i32, %arg1 : i32, i32
  }
  func.func @transform_3(%arg0: i32, %arg1: i32) -> (i32, i32) {
    %c0_i32 = arith.constant 0 : i32
    %c0_i32_0 = arith.constant 0 : i32
    return %c0_i32, %arg1 : i32, i32
  }
  func.func @transform_4(%arg0: i32, %arg1: i32) -> (i32, i32) {
    %c0_i32 = arith.constant 0 : i32
    %c0_i32_0 = arith.constant 0 : i32
    %c0_i32_1 = arith.constant 0 : i32
    return %c0_i32, %c0_i32_0 : i32, i32
  }
  func.func @transform_5(%arg0: i32, %arg1: i32) -> (i32, i32) {
    %c0_i32 = arith.constant 0 : i32
    %c0_i32_0 = arith.constant 0 : i32
    %c0_i32_1 = arith.constant 0 : i32
    return %c0_i32, %c0_i32_0 : i32, i32
  }
  func.func @transform_6(%arg0: i32, %arg1: i32) -> (i32, i32) {
    %c0_i32 = arith.constant 0 : i32
    %c0_i32_0 = arith.constant 0 : i32
    %c0_i32_1 = arith.constant 0 : i32
    return %c0_i32, %c0_i32_0 : i32, i32
  }
}

</mosaic_0001>

<sc_bundles>
// kernel: kernel.4.cloned.1.call-start
scs
__scs_entry_jumppad:
0x0: {  	(pc) =	sbr.rel $0x88, $3  }
0x1: {  	(tag) =	ssettag $0x0;
	lr =	simm.s32 $0x1  }
0x2: {  	[smem:$0x3F9F] =	sst lr;
	_ =	strace $0xD0000000  }
0x3: {  	_ = 	snop  }
0x4: {  	_ = 	snop  }
0x5: {  	_ = 	snop  }
0x6: {  	_ = 	snop  }
0x7: {  	_ = 	snop  }
__scs_overlays_trampoline_lowered:
0x8: {  	[smem:$0x3FAE] =	sst s0  }
0x9: {  	[smem:$0x3FAF] =	sst s1  }
0xa: {  	[smem:$0x3FB0] =	sst s2  }
0xb: {  	[smem:$0x3FB1] =	sst s3  }
0xc: {  	[smem:$0x3FB2] =	sst s4  }
0xd: {  	[smem:$0x3FB3] =	sst s5  }
0xe: {  	[smem:$0x3FB4] =	sst s6  }
0xf: {  	[smem:$0x3FB5] =	sst s7  }
0x10: {  	[smem:$0x3FB6] =	sst s8  }
0x11: {  	[smem:$0x3FB7] =	sst s9;
	s0 =	simm.s32 @!p0 $0x0  }
0x12: {  	s1 =	sld [smem:$0x3F9D];
	s0 =	simm.s32 @p0 $0x1  }
0x13: {  	[smem:$0x3FB8] =	sst s0;
	s0 =	simm.s32 @!p1 $0x0  }
0x14: {  	s2 =	sld [smem:$0x3F9C];
	s0 =	simm.s32 @p1 $0x1  }
0x15: {  	[smem:$0x3FB9] =	sst s0;
	s0 =	simm.s32 @!p2 $0x0  }
0x16: {  	s3 =	sld [smem:$0x3FDB];
	s0 =	simm.s32 @p2 $0x1  }
0x17: {  	s4 =	simm.s32 $0x1BF5;
	[smem:$0x3FBB] =	sst s0  }
0x18: {  	s0 =	sld [smem:$0x3F9E];
	_ =	swait.ge [sflag:s4], $0x0  }
0x19: {  	s7 =	sld [smem:$0x3F9F]  }
0x1a: {  	s8 =	sadd.s32 $0xFFFFE003, lr  }
0x1b: {  	s9 =	sadd.s32 $0xFFFFFEF7, lr;
	s5 =	simm.s32 $0xFFFFFFFF;
	p2 =	slt.u32 s8, $0xFFFFF086  }
0x1c: {  	p1 =	slt.u32 s9, $0xF7A;
	s5 =	simm.s32 @!p2 $0x0  }
0x1d: {  	s5 =	simm.s32 @p1 $0x1;
	p0 =	seq.s32 s7, s2  }
0x1e: {  	s7 =	smul.u32 @!p0 $0xF7A, s2;
	p2 =	seq.s32 @!p0 s5, $0x0  }
0x1f: {  	s9 =	smul.u32 $0xF7A, s1;
	s8 =	simm.s32 @!p0 $0x1BF5;
	p2 =	por !p2, p0  }
0x20: {  	[sflag:s8] =	ssyncset.s32 @!p0 $0xFFFFF086;
	s6 =	sadd.s32 @!p0 s3, s7;
	s7 =	simm.s32 @!p0 $0x108  }
0x21: {  	s3 =	sadd.s32 s3, s9;
	s6 =	sadd.s32 @!p0 $0x88, s6;
	s7 =	simm.s32 @p2 $0x1082  }
0x22: {  	[simem:s7], [sflag:s8] =	dma.local @!p0 [hbm:s6], $0xF7A  }
0x23: {  	s9 =	sor.u32 $0xD0000000, s2;
	s6 =	simm.s32 $0x108;
	_ =	swait.ge @!p0 [sflag:s8], $0x0  }
0x24: {  	s3 =	sadd.s32 $0x88, s3;
	s6 =	simm.s32 @!p1 $0x1082;
	[sflag:s4] =	ssyncset.s32 $0xFFFFF086  }
0x25: {  	[simem:s6], [sflag:s4] =	dma.local [hbm:s3], $0xF7A  }
0x26: {  	[smem:$0x3F9F] =	sst s1;
	(tag) =	ssettag s2;
	_ =	strace s9  }
0x27: {  	s1 =	sld [smem:$0x3FAF]  }
0x28: {  	s2 =	sld [smem:$0x3FB0]  }
0x29: {  	s4 =	sld [smem:$0x3FB2]  }
0x2a: {  	p0 =	seq.s32 s5, $0x0;
	s5 =	sld [smem:$0x3FB3]  }
0x2b: {  	s6 =	sld [smem:$0x3FB4]  }
0x2c: {  	s7 =	sld [smem:$0x3FB5]  }
0x2d: {  	s3 =	simm.s32 $0x108;
	s8 =	sld [smem:$0x3FB6]  }
0x2e: {  	s3 =	simm.s32 @!p0 $0x1082;
	s9 =	sld [smem:$0x3FB7]  }
0x2f: {  	lr =	sadd.s32 s0, s3;
	s0 =	sld [smem:$0x3FAE]  }
0x30: {  	s3 =	sld [smem:$0x3FB1]  }
0x31: {  	[smem:$0x3FBA] =	sst s10  }
0x32: {  	s10 =	sld [smem:$0x3FB8];
	_ =	sdelay $0x3  }
0x33: {  	p0 =	seq.s32 s10, $0x1;
	s10 =	sld [smem:$0x3FBA];
	_ =	sdelay $0x3  }
0x34: {  	[smem:$0x3FBA] =	sst s10  }
0x35: {  	s10 =	sld [smem:$0x3FB9];
	_ =	sdelay $0x3  }
0x36: {  	p1 =	seq.s32 s10, $0x1;
	s10 =	sld [smem:$0x3FBA];
	_ =	sdelay $0x3  }
0x37: {  	[smem:$0x3FBA] =	sst s10  }
0x38: {  	s10 =	sld [smem:$0x3FBB]  }
0x39: {  	_ = 	snop;
	(pc) =	sbr.ind lr, $3  }
0x3a: {  	_ = 	snop  }
0x3b: {  	_ = 	snop  }
0x3c: {  	p2 =	seq.s32 s10, $0x1;
	s10 =	sld [smem:$0x3FBA]  }
0x3d: {  	_ =	shalt  }
0x3e: {  	_ =	shalt  }
0x3f: {  	_ =	shalt  }
0x40: {  	_ =	shalt  }
0x41: {  	_ =	shalt  }
0x42: {  	_ =	shalt  }
0x43: {  	_ =	shalt  }
0x44: {  	_ =	shalt  }
0x45: {  	_ =	shalt  }
0x46: {  	_ =	shalt  }
0x47: {  	_ =	shalt  }
0x48: {  	_ =	shalt  }
0x49: {  	_ =	shalt  }
0x4a: {  	_ =	shalt  }
0x4b: {  	_ =	shalt  }
0x4c: {  	_ =	shalt  }
0x4d: {  	_ =	shalt  }
0x4e: {  	_ =	shalt  }
0x4f: {  	_ =	shalt  }
0x50: {  	_ =	shalt  }
0x51: {  	_ =	shalt  }
0x52: {  	_ =	shalt  }
0x53: {  	_ =	shalt  }
0x54: {  	_ =	shalt  }
0x55: {  	_ =	shalt  }
0x56: {  	_ =	shalt  }
0x57: {  	_ =	shalt  }
0x58: {  	_ =	shalt  }
0x59: {  	_ =	shalt  }
0x5a: {  	_ =	shalt  }
0x5b: {  	_ =	shalt  }
0x5c: {  	_ =	shalt  }
0x5d: {  	_ =	shalt  }
0x5e: {  	_ =	shalt  }
0x5f: {  	_ =	shalt  }
0x60: {  	_ =	shalt  }
0x61: {  	_ =	shalt  }
0x62: {  	_ =	shalt  }
0x63: {  	_ =	shalt  }
0x64: {  	_ =	shalt  }
0x65: {  	_ =	shalt  }
0x66: {  	_ =	shalt  }
0x67: {  	_ =	shalt  }
0x68: {  	_ =	shalt  }
0x69: {  	_ =	shalt  }
0x6a: {  	_ =	shalt  }
0x6b: {  	_ =	shalt  }
0x6c: {  	_ =	shalt  }
0x6d: {  	_ =	shalt  }
0x6e: {  	_ =	shalt  }
0x6f: {  	_ =	shalt  }
0x70: {  	_ =	shalt  }
0x71: {  	_ =	shalt  }
0x72: {  	_ =	shalt  }
0x73: {  	_ =	shalt  }
0x74: {  	_ =	shalt  }
0x75: {  	_ =	shalt  }
0x76: {  	_ =	shalt  }
0x77: {  	_ =	shalt  }
0x78: {  	_ =	shalt  }
0x79: {  	_ =	shalt  }
0x7a: {  	_ =	shalt  }
0x7b: {  	_ =	shalt  }
0x7c: {  	_ =	shalt  }
0x7d: {  	_ =	shalt  }
0x7e: {  	_ =	shalt  }
0x7f: {  	_ =	shalt  }
0x80: {  	_ =	shalt  }
0x81: {  	_ =	shalt  }
0x82: {  	_ =	shalt  }
0x83: {  	_ =	shalt  }
0x84: {  	_ =	shalt  }
0x85: {  	_ =	shalt  }
0x86: {  	_ =	shalt  }
0x87: {  	_ =	shalt  }
.Lfunc_end0:
.L_simem_size_0:
called_computation_lowered:
.L_overlay_start_0:
0x88: {  	s2 =	sld [smem:$0x3FD9]  }
0x89: {  	s3 =	sld [smem:$0x3FFE];
	_ =	sdelay $0x1  }
0x8a: {  	s1 =	srdreg.scid  }
0x8b: {  	s0 =	sand.u32 $0x1, s1  }
0x8c: {  	s17 =	sshll.u32 s0, $0xA;
	s2 =	sadd.s32 s3, s2  }
0x8d: {  	s2 =	sadd.s32 s2, s17  }
0x8e: {  	[smem:$0x3FC6] =	sst s2  }
0x8f: {  	_ = 	snop  }
0x90: {  	s2 =	sld [smem:$0x3FC9]  }
0x91: {  	s18 =	sld [smem:$0x3FC8];
	(tm) =	ssettm $0x1  }
0x92: {  	s4 =	sld [smem:$0x3FFB];
	_ =	sdelay $0x3  }
0x93: {  	_ =	strace s4  }
0x94: {  	s4 =	sld [smem:$0x3FFC];
	_ =	sdelay $0x3  }
0x95: {  	_ =	strace s4  }
0x96: {  	s4 =	sld [smem:$0x3FFD];
	_ =	sdelay $0x3  }
0x97: {  	_ =	strace s4  }
0x98: {  	_ =	strace $0x8FFFFFFF  }
0x99: {  	s19 =	sld [smem:$0x3FDB];
	_ =	sdelay $0x1  }
0x9a: {  	s5 =	simm.s32 $_scs_section_size  }
0x9b: {  	s6 =	simm.s32 $_size__tile_overlayer_lowered;
	s7 =	simm.s32 $_tile_overlayer_lowered  }
0x9c: {  	s22 =	simm.s32 $0x1BFF;
	s21 =	sshll.u32 s7, $0x1;
	s4 =	sadd.s32 s5, s19  }
0x9d: {  	s8 =	simm.s32 $0x0;
	s20 =	sshll.u32 s6, $0x1;
	s6 =	sadd.s32 s21, s4  }
0x9e: {  	[timem:s8], [sflag:s22] =	dma.local [hbm:s6], s20  }
0x9f: {  	_ =	swait.ge [sflag:s22], s20  }
0xa0: {  	s5 =	ssub.s32 $0x0, s20;
	[sflag:s22] =	ssyncset.done $0x0  }
0xa1: {  	[sflag:s22] =	ssyncadd.s32 s5;
	_ =	sdelay $0x1  }
0xa2: {  	s23 =	simm.s32 $0x1B8B  }
0xa3: {  	_ =	swait.ge [sflag:s23], $0x1  }
0xa4: {  	[sflag:s23] =	ssyncset.done $0x0  }
0xa5: {  	s25 =	simm.s32 $0x1B8E;
	s24 =	sld [smem:$0x3FFE];
	[sflag:s23] =	ssyncadd.s32 $0xFFFFFFFF  }
0xa6: {  	s26 =	simm.s32 $execute0_lowered;
	[smem:$0x3FD2] =	sst s25  }
0xa7: {  	s6 =	sshll.u32 s26, $0x1;
	_ =	strace $0x80000046;
	[dreg:$0x1] =	wrdreg $0xFFFFFFFF  }
0xa8: {  	s28 =	simm.s32 $_size_execute0_lowered;
	s4 =	sadd.s32 s4, s6;
	[dreg:$0x0] =	wrdreg $0x0  }
0xa9: {  	s6 =	sshll.u32 s28, $0x1;
	[dreg:$0x2] =	wrdreg s4  }
0xaa: {  	[dreg:$0x3] =	wrdreg s6  }
0xab: {  	[dreg:$0x4] =	wrdreg $0xC0  }
0xac: {  	_ =	task [dreg:s8], $0x5FFFF  }
0xad: {  	[dreg:$0x1] =	wrdreg $0xFFFFFFFF  }
0xae: {  	[dreg:$0x0] =	wrdreg $0x60  }
0xaf: {  	[dreg:$0x2] =	wrdreg s2  }
0xb0: {  	[dreg:$0x3] =	wrdreg s18  }
0xb1: {  	[dreg:$0x4] =	wrdreg s24  }
0xb2: {  	[dreg:$0x5] =	wrdreg $0x9  }
0xb3: {  	_ =	task.clear_ibuf [dreg:s8], $0x6FFFF;
	_ =	strace $0x90000046  }
0xb4: {  	s29 =	simm.s32 $0x9;
	_ =	strace $0x80000048  }
0xb5: {  	_ =	swait.ge [sflag:s29], $0x1  }
0xb6: {  	[sflag:s29] =	ssyncadd.s32 $0xFFFFFFFF  }
0xb7: {  	_ =	strace $0x90000048  }
0xb8: {  	_ =	sfence  }
0xb9: {  	s30 =	sld [smem:$0x0];
	_ =	sdelay $0x2  }
0xba: {  	s31 =	sshll.u32 s1, $0xD;
	s1 =	sshrl.u32 s1, $0x2  }
0xbb: {  	s3 =	sand.u32 $0x4000, s31;
	s1 =	sadd.s32 s1, s30  }
0xbc: {  	s0 =	sor.u32 s3, s0;
	s1 =	sshll.u32 s1, $0x11  }
0xbd: {  	s0 =	sor.u32 s1, s0  }
0xbe: {  	s0 =	sadd.s32 $0x8F2B, s0  }
0xbf: {  	[sflag:s0] =	ssyncadd.remote.s32 $0x1  }
0xc0: {  	_ =	sfence.sel $0xFFFF  }
0xc1: {  	[dreg:$0x0] =	wrdreg $0xFFFFFFFF;
	(pc) =	sbr.abs _section_cstart, $3  }
0xc2: {  	[dreg:$0x1] =	wrdreg $0xFFFFFFFF  }
0xc3: {  	_ =	task.clear_ibuf [dreg:s8], $0x2FFFF;
	_ =	strace $0x9FFFFFFF  }
0xc4: {  	(tm) =	ssettm $0x7FFFFFFF  }
0xc5: {  	_ =	shalt  }
tec
execute0_lowered:
.L_overlay_start_1:
0x0: {  	(tag) =	ssettag $0x1  }
0x1: {  	s1 =	rddreg [dreg:$0x0]  }
0x2: {  	s3 =	rddreg [dreg:$0x1]  }
0x3: {  	s6 =	rddreg [dreg:$0x2]  }
0x4: {  	s0 =	rddreg [dreg:$0x3]  }
0x5: {  	s5 =	srdreg.scid;
	s2 =	stileid.u32  }
0x6: {  	s4 =	simm.s32 $0x0;
	s11 =	simm.s32 $0x1080;
	s12 =	simm.s32 $0x2100  }
0x7: {  	s13 =	simm.s32 $0x2180;
	s5 =	sand.u32 $0x1, s5;
	s7 =	sshll.u32 s2, $0x1  }
0x8: {  	s14 =	simm.s32 $0x2200;
	s8 =	ssub.s32 $0x2, s5;
	s5 =	sor.u32 s5, s7  }
0x9: {  	s15 =	simm.s32 $0x0;
	[smem:$0x7FF] =	sst s4;
	s9 =	sshll.u32 s5, $0x4  }
0xa: {  	_ =	strace $0x80000047;
	s31 =	sshrl.u32 s8, $0x1;
	s6 =	sadd.s32 s6, s9  }
0xb: {  	s5 =	sshll.u32 s5, $0x3;
	s10 =	ssub.s32 s8, s31;
	s7 =	sadd.s32 $0x200, s6  }
0xc: {  	v8 =	vimm.f32 $0.0e+00;
	s8 =	sadd.s32 $0x400, s6;
	s9 =	smax.u32 s10, $0x1;
	s10 =	simm.s32 $0x1  }
.LBB2_1:
0xd: {  	[tilespmem:s4], [sflag:$0x1] =	stream.linear.gather [hbm4b:s1+s4], $0x1000, $0x38;
	[tilespmem:$0x2300] =	vst v63  }
0xe: {  	_ =	swait.ge [sflag:s10], $0x1000  }
0xf: {  	[sflag:s10] =	ssyncset.done $0x0  }
0x10: {  	[sflag:s10] =	ssyncadd.s32 $0xFFFFF000  }
0x11: {  	[tilespmem:s11], [sflag:$0x1] =	stream.linear.gather [hbm4b:s3+s4], $0x1000, $0x38;
	[tilespmem:$0x2300] =	vst v63  }
0x12: {  	_ =	swait.ge [sflag:s10], $0x1000  }
0x13: {  	[sflag:s10] =	ssyncset.done $0x0  }
0x14: {  	[sflag:s10] =	ssyncadd.s32 $0xFFFFF000  }
0x15: {  	v0 =	vld [tilespmem:s5+$0x0];
	_ =	sdelay $0x2  }
0x16: {  	v3 =	vimm.s32 $0x0;
	v4 =	vimm.s32 $0x1  }
0x17: {  	v5 =	vimm.s32 $0x2;
	v6 =	vimm.s32 $0x3;
	v7 =	vimm.s32 $0x4;
	v1 =	vld [tilespmem:s5+$0x1080]  }
0x18: {  	v9 =	vimm.s32 $0x5;
	v12 =	vperm.xlane v0, v3;
	v13 =	vperm.xlane v0, v4  }
0x19: {  	s16 =	simm.s32 $0x0;
	v10 =	vimm.s32 $0x6;
	v14 =	vperm.xlane v0, v5;
	v15 =	vperm.xlane v0, v6  }
0x1a: {  	v11 =	vimm.s32 $0x7;
	v2 =	vld [tilespmem:s16+$0x0];
	v16 =	vperm.xlane v0, v7;
	v20 =	vperm.xlane v0, v9  }
0x1b: {  	v18 =	vperm.xlane v0, v10;
	v22 =	vperm.xlane v0, v11  }
0x1c: {  	v0 =	vperm.xlane v1, v3;
	v24 =	vperm.xlane v1, v4  }
0x1d: {  	v17 =	vperm.xlane v1, v5;
	v6 =	vperm.xlane v1, v6  }
0x1e: {  	v3 =	vld [tilespmem:s16+$0x1080];
	v7 =	vperm.xlane v1, v7;
	v9 =	vperm.xlane v1, v9  }
0x1f: {  	v10 =	vperm.xlane v1, v10;
	v4 =	vsub.f32 v12, v2;
	v27 =	vsub.f32 v14, v2  }
0x20: {  	v11 =	vperm.xlane v1, v11;
	v1 =	vsub.f32 v18, v2;
	v25 =	vsub.f32 v16, v2  }
0x21: {  	v31 =	vsub.f32 v13, v2;
	v33 =	vsub.f32 v22, v2  }
0x22: {  	v44 =	vsub.f32 v20, v2;
	v39 =	vsub.f32 v15, v2;
	v5 =	vand.u32 $0x7FFFFFFF, v4  }
0x23: {  	v26 =	vand.u32 $0x7FFFFFFF, v1;
	v30 =	vand.u32 $0x7FFFFFFF, v25;
	v29 =	vsub.f32 v17, v3  }
0x24: {  	[tilespmem:$0x1FFD0] =	vst v0;
	v32 =	vand.u32 $0x7FFFFFFF, v27;
	v0 =	vsub.f32 v0, v3;
	v28 =	vsub.f32 v24, v3  }
0x25: {  	v34 =	vand.u32 $0x7FFFFFFF, v31;
	v26 =	vsub.f32 $0.0e+00, v26;
	v30 =	vsub.f32 $0.0e+00, v30  }
0x26: {  	v36 =	vand.u32 $0x7FFFFFFF, v33;
	v5 =	vsub.f32 $0.0e+00, v5;
	v35 =	vsub.f32 v7, v3  }
0x27: {  	v2 =	vand.u32 $0x7FFFFFFF, v44;
	v37 =	vsub.f32 v10, v3;
	v36 =	vsub.f32 $0.0e+00, v36  }
0x28: {  	v57 =	vand.u32 $0x7FFFFFFF, v39;
	v32 =	vsub.f32 $0.0e+00, v32;
	v40 =	vsub.f32 v6, v3  }
0x29: {  	v49 =	vsub.f32 v11, v3;
	v26 =	vmul.f32 $1.442695020e+00, v26;
	v30 =	vmul.f32 $1.442695020e+00, v30  }
0x2a: {  	v5 =	vmul.f32 $1.442695020e+00, v5;
	v58 =	vmul.f32 v35, v25;
	v25 =	vand.u32 $0x7FFFFFFF, v40  }
0x2b: {  	v38 =	vmul.f32 v37, v1;
	v41 =	vmul.f32 $1.442695020e+00, v32;
	v1 =	vand.u32 $0x7FFFFFFF, v28  }
0x2c: {  	(erf) = vpow2.f32 v30;
	v30 =	vmul.f32 $1.442695020e+00, v36;
	v36 =	vsub.f32 $0.0e+00, v57  }
0x2d: {  	v28 =	vmul.f32 v28, v31;
	v35 =	vand.u32 $0x7FFFFFFF, v35;
	(erf) = vpow2.f32 v26  }
0x2e: {  	(erf) = vpow2.f32 v30;
	v30 =	vsub.f32 $0.0e+00, v2;
	v2 =	vmul.f32 $1.442695020e+00, v36  }
0x2f: {  	v45 =	vand.u32 $0x7FFFFFFF, v37;
	v43 =	vmul.f32 v0, v4;
	v33 =	vmul.f32 v49, v33  }
0x30: {  	v61 =	vmul.f32 v40, v39;
	v49 =	vand.u32 $0x7FFFFFFF, v49;
	(erf) = vpow2.f32 v2  }
0x31: {  	vm0 =	vgt.f32 v1, $1.000000010e-01;
	vm12 =	vgt.f32 v45, $1.000000010e-01;
	vm13 =	vgt.f32 v35, $1.000000010e-01  }
0x32: {  	vm14 =	vgt.f32 v25, $1.000000010e-01;
	vm15 =	vgt.f32 v49, $1.000000010e-01;
	v26 =	vsub.f32 $0.0e+00, v34  }
0x33: {  	v59 =	vxor.u32 $0x80000000, v38;
	v32 =	vsel vm0, $0x3F800000, v8;
	v42 =	vxor.u32 $0x80000000, v28  }
0x34: {  	v38 =	vand.u32 $0x7FFFFFFF, v29;
	v37 =	vsel vm12, $0x3F800000, v8;
	v26 =	vmul.f32 $1.442695020e+00, v26  }
0x35: {  	v28 =	vsel vm13, $0x3F800000, v8;
	v51 =	vxor.u32 $0x80000000, v33;
	v4 =	vmul.f32 $1.442695020e+00, v30;
	v2 =	vpop (erf)  }
0x36: {  	v33 =	vxor.u32 $0x80000000, v61;
	(erf) = vpow2.f32 v26;
	v46 =	vpop (erf);
	v48 =	vmul.f32 $6.006604990e-03, v2  }
0x37: {  	v57 =	vsub.f32 v9, v3;
	(erf) = vpow2.f32 v41;
	v30 =	vmul.f32 $6.006604990e-03, v46;
	v47 =	vpop (erf)  }
0x38: {  	(erf) = vpow2.f32 v4;
	v60 =	vmul.f32 $6.006604990e-03, v47;
	v48 =	vsub.f32 $3.426460180e-02, v48  }
0x39: {  	v34 =	vxor.u32 $0x80000000, v58;
	vm1 =	vgt.f32 v38, $1.000000010e-01;
	v4 =	vsub.f32 $3.426460180e-02, v30;
	v41 =	vpop (erf)  }
0x3a: {  	v30 =	vsub.f32 $3.426460180e-02, v60;
	v50 =	vmul.f32 $6.006604990e-03, v41;
	v48 =	vmul.f32 v48, v2  }
0x3b: {  	v55 =	vmax.f32 v42, $0.0e+00;
	v36 =	vmax.f32 v59, $0.0e+00;
	v4 =	vmul.f32 v4, v46  }
0x3c: {  	v30 =	vmul.f32 v30, v47;
	v62 =	vsub.f32 $3.426460180e-02, v50;
	v63 =	vadd.f32 $-9.229041640e-02, v48  }
0x3d: {  	v31 =	vsel vm1, $0x3F800000, v8;
	v26 =	vadd.f32 v28, v8;
	v4 =	vadd.f32 $-9.229041640e-02, v4  }
0x3e: {  	[tilespmem:$0x1FF80] =	vst v12;
	v12 =	vadd.f32 $-9.229041640e-02, v30;
	v39 =	vmul.f32 v62, v41;
	v40 =	vmul.f32 v63, v2  }
0x3f: {  	v50 =	vpop (erf);
	v30 =	vadd.f32 v31, v8;
	(erf) = vpow2.f32 v5;
	v4 =	vmul.f32 v4, v46  }
0x40: {  	[tilespmem:$0x1FFF0] =	vst v13;
	v52 =	vmul.f32 $6.006604990e-03, v50;
	v56 =	vpop (erf);
	v13 =	vmul.f32 v12, v47;
	v39 =	vadd.f32 $-9.229041640e-02, v39  }
0x41: {  	v54 =	vpop (erf);
	v53 =	vadd.f32 $1.649981290e-01, v40;
	v40 =	vmax.f32 v33, $0.0e+00;
	v4 =	vadd.f32 $1.649981290e-01, v4  }
0x42: {  	[tilespmem:$0x1FF90] =	vst v14;
	v14 =	vmul.f32 $6.006604990e-03, v54;
	v59 =	vsub.f32 $3.426460180e-02, v52;
	v5 =	vmul.f32 v39, v41  }
0x43: {  	v42 =	vadd.f32 $1.649981290e-01, v13;
	v39 =	vmul.f32 v53, v2;
	v53 =	vmul.f32 $6.006604990e-03, v56  }
0x44: {  	v4 =	vmul.f32 v4, v46;
	v3 =	vsub.f32 $3.426460180e-02, v14;
	v5 =	vadd.f32 $1.649981290e-01, v5  }
0x45: {  	v58 =	vmul.f32 v42, v47;
	v42 =	vmul.f32 v59, v50;
	v39 =	vadd.f32 $-2.394333780e-01, v39  }
0x46: {  	v63 =	vsub.f32 $3.426460180e-02, v53;
	v53 =	vsel vm14, $0x3F800000, v8;
	v4 =	vadd.f32 $-2.394333780e-01, v4  }
0x47: {  	v3 =	vmul.f32 v3, v54;
	v5 =	vmul.f32 v5, v41;
	v33 =	vadd.f32 $-2.394333780e-01, v58  }
0x48: {  	v42 =	vadd.f32 $-9.229041640e-02, v42;
	v39 =	vmul.f32 v39, v2;
	v58 =	vmax.f32 v34, $0.0e+00  }
0x49: {  	v4 =	vmul.f32 v4, v46;
	v3 =	vadd.f32 $-9.229041640e-02, v3;
	v48 =	vpop (erf);
	v33 =	vmul.f32 v33, v47  }
0x4a: {  	v5 =	vadd.f32 $-2.394333780e-01, v5;
	v60 =	vmul.f32 $6.006604990e-03, v48;
	v42 =	vmul.f32 v42, v50  }
0x4b: {  	v61 =	vadd.f32 $3.314466480e-01, v39;
	v4 =	vadd.f32 $3.314466480e-01, v4;
	v3 =	vmul.f32 v3, v54  }
0x4c: {  	v5 =	vmul.f32 v5, v41;
	v33 =	vadd.f32 $3.314466480e-01, v33;
	v52 =	vsub.f32 $3.426460180e-02, v60  }
0x4d: {  	v42 =	vadd.f32 $1.649981290e-01, v42;
	v34 =	vmul.f32 v61, v2;
	v60 =	vsel vm15, $0x3F800000, v8  }
0x4e: {  	v4 =	vmul.f32 v4, v46;
	v61 =	vadd.f32 $1.649981290e-01, v3;
	v33 =	vmul.f32 v33, v47  }
0x4f: {  	v5 =	vadd.f32 $3.314466480e-01, v5;
	v62 =	vmul.f32 v52, v48;
	v42 =	vmul.f32 v42, v50  }
0x50: {  	v52 =	vmul.f32 v63, v56;
	v34 =	vadd.f32 $-4.998255070e-01, v34;
	v63 =	vmax.f32 v51, $0.0e+00  }
0x51: {  	v51 =	vimm.f32 $0.0e+00;
	v4 =	vadd.f32 $-4.998255070e-01, v4;
	v33 =	vadd.f32 $-4.998255070e-01, v33  }
0x52: {  	v39 =	vadd.f32 $-9.229041640e-02, v62;
	v42 =	vadd.f32 $-2.394333780e-01, v42;
	v5 =	vmul.f32 v5, v41  }
0x53: {  	v52 =	vadd.f32 $-9.229041640e-02, v52;
	v12 =	vmul.f32 v34, v2;
	v4 =	vmul.f32 v4, v46  }
0x54: {  	v34 =	vadd.f32 v60, v8;
	v59 =	vmul.f32 v33, v47;
	v39 =	vmul.f32 v39, v48  }
0x55: {  	v33 =	vadd.f32 v53, v8;
	v42 =	vmul.f32 v42, v50;
	v62 =	vadd.f32 $9.999936220e-01, v4  }
0x56: {  	v13 =	vmul.f32 v52, v56;
	v59 =	vadd.f32 $9.999936220e-01, v59;
	v39 =	vadd.f32 $1.649981290e-01, v39  }
0x57: {  	v12 =	vadd.f32 $9.999936220e-01, v12;
	v42 =	vadd.f32 $3.314466480e-01, v42;
	v46 =	vmul.f32 v62, v46  }
0x58: {  	v62 =	vand.u32 $0x7FFFFFFF, v57;
	v47 =	vmul.f32 v59, v47;
	v3 =	vmul.f32 v39, v48  }
0x59: {  	v4 =	vmul.f32 v42, v50;
	v39 =	vadd.f32 $1.649981290e-01, v13;
	v59 =	vand.u32 $0x7FFFFFFF, v0  }
0x5a: {  	v52 =	vadd.f32 $-2.394333780e-01, v3;
	v3 =	vadd.f32 $-4.998255070e-01, v5;
	v5 =	vmul.f32 v61, v54  }
0x5b: {  	v14 =	vadd.f32 $3.910905380e-08, v47;
	v4 =	vadd.f32 $-4.998255070e-01, v4;
	v39 =	vmul.f32 v39, v56  }
0x5c: {  	v46 =	vadd.f32 $3.910905380e-08, v46;
	v47 =	vmul.f32 v52, v48;
	v5 =	vadd.f32 $-2.394333780e-01, v5  }
0x5d: {  	v42 =	vmul.f32 v14, v49;
	v4 =	vmul.f32 v4, v50;
	v0 =	vadd.f32 $-2.394333780e-01, v39  }
0x5e: {  	v52 =	vxor.u32 $0x80000000, v43;
	v47 =	vadd.f32 $3.314466480e-01, v47;
	v5 =	vmul.f32 v5, v54  }
0x5f: {  	v43 =	vadd.f32 v37, v8;
	v49 =	vimm.f32 $0.0e+00;
	v0 =	vmul.f32 v0, v56  }
0x60: {  	v14 =	vadd.f32 $9.999936220e-01, v4;
	v47 =	vmul.f32 v47, v48;
	v5 =	vadd.f32 $3.314466480e-01, v5  }
0x61: {  	v42 =	vadd.f32 v42, v63;
	v4 =	vmul.f32 v12, v2;
	v0 =	vadd.f32 $3.314466480e-01, v0  }
0x62: {  	v47 =	vadd.f32 $-4.998255070e-01, v47;
	v2 =	vmul.f32 v5, v54;
	v5 =	vmul.f32 v14, v50  }
0x63: {  	v13 =	vmul.f32 v42, v60;
	v42 =	vadd.f32 v32, v8;
	v0 =	vmul.f32 v0, v56  }
0x64: {  	v63 =	vmul.f32 v47, v48;
	v2 =	vadd.f32 $-4.998255070e-01, v2;
	v5 =	vadd.f32 $3.910905380e-08, v5  }
0x65: {  	v39 =	vadd.f32 v13, v8;
	v50 =	vimm.f32 $0.0e+00;
	v0 =	vadd.f32 $-4.998255070e-01, v0  }
0x66: {  	[tilespmem:$0x1FFA0] =	vst v18;
	v47 =	vadd.f32 $9.999936220e-01, v63;
	v2 =	vmul.f32 v2, v54;
	v60 =	vmul.f32 v5, v1  }
0x67: {  	v23 =	vmovc v7;
	v19 =	vmovc v10;
	v1 =	vmax.f32 v52, $0.0e+00;
	v61 =	vmul.f32 v0, v56;
	v0 =	vmul.f32 v57, v44  }
0x68: {  	[tilespmem:$0x1FFB0] =	vst v16;
	v21 =	vmovc v6;
	v18 =	vmovc v11;
	v44 =	vimm.f32 $0.0e+00;
	v52 =	vimm.f32 $0.0e+00;
	v63 =	vmul.f32 v47, v48  }
0x69: {  	[tilespmem:$0x1FFE0] =	vst v24;
	v24 =	vmovc v22;
	v22 =	vmovc v20;
	v5 =	vadd.f32 $9.999936220e-01, v2;
	v2 =	vmul.f32 v46, v45;
	v45 =	vimm.f32 $0.0e+00  }
0x6a: {  	s16 =	simm.s32 $0x40;
	[tilespmem:$0x1FFC0] =	vst v17;
	v20 =	vmovc v15;
	v17 =	vmovc v9;
	v46 =	vimm.f32 $0.0e+00;
	v47 =	vimm.f32 $0.0e+00;
	v48 =	vimm.f32 $0.0e+00  }
.LBB2_2:
0x6b: {  	v27 =	vmul.f32 v29, v27;
	v4 =	vadd.f32 $3.910905380e-08, v4;
	vm0 =	vgt.f32 v59, $1.000000010e-01  }
0x6c: {  	vm10 =	vgt.f32 v62, $1.000000010e-01;
	v57 =	vadd.f32 $3.910905380e-08, v63;
	v2 =	vadd.f32 v2, v36  }
0x6d: {  	s17 =	sshra.s32 s16, $0x2;
	v6 =	vld [tilespmem:$0x1FFB0];
	v29 =	vadd.f32 $9.999936220e-01, v61;
	v3 =	vmul.f32 v3, v41;
	v14 =	vxor.u32 $0x80000000, v0  }
0x6e: {  	v36 =	vld [tilespmem:s17+$0x0];
	v12 =	vadd.f32 v60, v55;
	v5 =	vmul.f32 v5, v54;
	v9 =	vsel vm10, $0x3F800000, v8  }
0x6f: {  	v0 =	vld [tilespmem:s17+$0x1080];
	v27 =	vxor.u32 $0x80000000, v27;
	v4 =	vmul.f32 v4, v35;
	v45 =	vadd.f32 v9, v45  }
0x70: {  	v7 =	vld [tilespmem:$0x1FFD0];
	v2 =	vmul.f32 v2, v37;
	v29 =	vmul.f32 v29, v56;
	v35 =	vadd.f32 $9.999936220e-01, v3  }
0x71: {  	v55 =	vmax.f32 v14, $0.0e+00;
	v3 =	vld [tilespmem:$0x1FF90];
	v5 =	vadd.f32 $3.910905380e-08, v5;
	v4 =	vadd.f32 v4, v58  }
0x72: {  	v44 =	vadd.f32 v2, v44;
	v29 =	vadd.f32 $3.910905380e-08, v29;
	v35 =	vmul.f32 v35, v41  }
0x73: {  	v5 =	vmul.f32 v5, v62;
	v60 =	vsub.f32 v6, v36;
	v10 =	vsub.f32 v24, v36  }
0x74: {  	v56 =	vmax.f32 v27, $0.0e+00;
	v2 =	vld [tilespmem:$0x1FF80];
	v11 =	vsub.f32 v23, v0;
	v15 =	vsub.f32 v21, v0  }
0x75: {  	v6 =	vld [tilespmem:$0x1FFA0];
	v38 =	vmul.f32 v29, v38;
	v5 =	vadd.f32 v5, v55;
	v16 =	vadd.f32 $3.910905380e-08, v35  }
0x76: {  	v27 =	vsub.f32 v3, v36;
	v3 =	vmul.f32 v57, v59;
	v59 =	vsub.f32 v7, v0  }
0x77: {  	v41 =	vand.u32 $0x7FFFFFFF, v15;
	v62 =	vmul.f32 v11, v60;
	v35 =	vand.u32 $0x7FFFFFFF, v11  }
0x78: {  	v38 =	vadd.f32 v38, v56;
	v56 =	vsub.f32 v19, v0;
	v5 =	vmul.f32 v5, v9  }
0x79: {  	v7 =	vld [tilespmem:$0x1FFE0];
	v9 =	vmul.f32 v4, v28;
	vm13 =	vgt.f32 v35, $1.000000010e-01;
	v54 =	vsub.f32 v2, v36  }
0x7a: {  	v2 =	vsel vm0, $0x3F800000, v8;
	v61 =	vsub.f32 v6, v36;
	v6 =	vadd.f32 v3, v1;
	v3 =	vld [tilespmem:$0x1FFC0]  }
0x7b: {  	v28 =	vsel vm13, $0x3F800000, v8;
	v49 =	vadd.f32 v2, v49;
	v1 =	vmul.f32 v12, v32  }
0x7c: {  	v32 =	vand.u32 $0x7FFFFFFF, v27;
	v46 =	vadd.f32 v5, v46;
	v26 =	vadd.f32 v28, v26  }
0x7d: {  	v5 =	vmul.f32 v16, v25;
	v25 =	vmovc v41;
	v47 =	vadd.f32 v9, v47;
	v16 =	vsub.f32 v18, v0  }
0x7e: {  	v13 =	vand.u32 $0x7FFFFFFF, v54;
	v32 =	vsub.f32 $0.0e+00, v32;
	vm14 =	vgt.f32 v25, $1.000000010e-01  }
0x7f: {  	v63 =	vsub.f32 v7, v0;
	v29 =	vsub.f32 v3, v0;
	v3 =	vand.u32 $0x7FFFFFFF, v60  }
0x80: {  	v14 =	vand.u32 $0x7FFFFFFF, v61;
	v57 =	vsub.f32 $0.0e+00, v13;
	v3 =	vsub.f32 $0.0e+00, v3  }
0x81: {  	v13 =	vand.u32 $0x7FFFFFFF, v10;
	v51 =	vadd.f32 v1, v51;
	v2 =	vmul.f32 v6, v2  }
0x82: {  	v7 =	vld [tilespmem:$0x1FFF0];
	v5 =	vadd.f32 v5, v40;
	v10 =	vmul.f32 v16, v10;
	v12 =	vmul.f32 $1.442695020e+00, v3  }
0x83: {  	v37 =	vsub.f32 $0.0e+00, v14;
	v13 =	vsub.f32 $0.0e+00, v13;
	v55 =	vmul.f32 $1.442695020e+00, v32  }
0x84: {  	v14 =	vsub.f32 v20, v36;
	v5 =	vmul.f32 v5, v53;
	(erf) = vpow2.f32 v12  }
0x85: {  	v52 =	vadd.f32 v2, v52;
	v37 =	vmul.f32 $1.442695020e+00, v37;
	v60 =	vand.u32 $0x7FFFFFFF, v63  }
0x86: {  	v13 =	vmul.f32 $1.442695020e+00, v13;
	vm11 =	vgt.f32 v60, $1.000000010e-01;
	v48 =	vadd.f32 v5, v48  }
0x87: {  	v5 =	vxor.u32 $0x80000000, v10;
	v7 =	vsub.f32 v7, v36;
	v3 =	vmul.f32 $1.442695020e+00, v57  }
0x88: {  	v57 =	vsub.f32 v22, v36;
	v36 =	vand.u32 $0x7FFFFFFF, v14;
	(erf) = vpow2.f32 v37  }
0x89: {  	v32 =	vsel vm11, $0x3F800000, v8;
	v37 =	vsub.f32 $0.0e+00, v36;
	(erf) = vpow2.f32 v13  }
0x8a: {  	v0 =	vsub.f32 v17, v0;
	v5 =	vmax.f32 v5, $0.0e+00;
	v42 =	vadd.f32 v32, v42  }
0x8b: {  	v58 =	vand.u32 $0x7FFFFFFF, v7;
	v7 =	vmul.f32 v63, v7;
	v11 =	vmul.f32 $1.442695020e+00, v37  }
0x8c: {  	v63 =	vmul.f32 v59, v54;
	v12 =	vmul.f32 v38, v31;
	v1 =	vsub.f32 $0.0e+00, v58  }
0x8d: {  	v31 =	vand.u32 $0x7FFFFFFF, v57;
	v58 =	vxor.u32 $0x80000000, v62;
	v62 =	vpop (erf);
	(erf) = vpow2.f32 v11  }
0x8e: {  	v50 =	vadd.f32 v12, v50;
	v12 =	vsub.f32 $0.0e+00, v31;
	v4 =	vmul.f32 $1.442695020e+00, v1  }
0x8f: {  	v59 =	vand.u32 $0x7FFFFFFF, v59;
	v38 =	vand.u32 $0x7FFFFFFF, v29;
	v7 =	vxor.u32 $0x80000000, v7  }
0x90: {  	vm12 =	vgt.f32 v38, $1.000000010e-01;
	v31 =	vmul.f32 v56, v61;
	v11 =	vmul.f32 $1.442695020e+00, v12  }
0x91: {  	v61 =	vand.u32 $0x7FFFFFFF, v56;
	v1 =	vpop (erf);
	(erf) = vpow2.f32 v4;
	v9 =	vmul.f32 $6.006604990e-03, v62  }
0x92: {  	vm1 =	vgt.f32 v61, $1.000000010e-01;
	v54 =	vmul.f32 $6.006604990e-03, v1;
	(erf) = vpow2.f32 v55;
	v4 =	vpop (erf)  }
0x93: {  	v55 =	vmul.f32 $6.006604990e-03, v4;
	(erf) = vpow2.f32 v11;
	v9 =	vsub.f32 $3.426460180e-02, v9  }
0x94: {  	v31 =	vxor.u32 $0x80000000, v31;
	v37 =	vsel vm1, $0x3F800000, v8;
	v6 =	vsub.f32 $3.426460180e-02, v54  }
0x95: {  	v36 =	vmax.f32 v31, $0.0e+00;
	v11 =	vsub.f32 $3.426460180e-02, v55;
	v9 =	vmul.f32 v9, v62  }
0x96: {  	v31 =	vsel vm12, $0x3F800000, v8;
	v43 =	vadd.f32 v37, v43;
	v6 =	vmul.f32 v6, v1;
	v41 =	vpop (erf)  }
0x97: {  	v10 =	vmul.f32 v11, v4;
	v9 =	vadd.f32 $-9.229041640e-02, v9;
	v56 =	vmul.f32 $6.006604990e-03, v41  }
0x98: {  	v58 =	vmax.f32 v58, $0.0e+00;
	v30 =	vadd.f32 v31, v30;
	v6 =	vadd.f32 $-9.229041640e-02, v6  }
0x99: {  	v55 =	vmax.f32 v7, $0.0e+00;
	v10 =	vadd.f32 $-9.229041640e-02, v10;
	v7 =	vmul.f32 v9, v62  }
0x9a: {  	v11 =	vmul.f32 v15, v14;
	v14 =	vand.u32 $0x7FFFFFFF, v16;
	v2 =	vpop (erf);
	v6 =	vmul.f32 v6, v1  }
0x9b: {  	v9 =	vmul.f32 v10, v4;
	v7 =	vadd.f32 $1.649981290e-01, v7;
	v40 =	vsub.f32 $3.426460180e-02, v56;
	v56 =	vpop (erf)  }
0x9c: {  	vm15 =	vgt.f32 v14, $1.000000010e-01;
	v6 =	vadd.f32 $1.649981290e-01, v6;
	v54 =	vpop (erf);
	(erf) = vpow2.f32 v3  }
0x9d: {  	v13 =	vmul.f32 $6.006604990e-03, v2;
	v9 =	vadd.f32 $1.649981290e-01, v9;
	v7 =	vmul.f32 v7, v62  }
0x9e: {  	v10 =	vxor.u32 $0x80000000, v11;
	v12 =	vmul.f32 v40, v41;
	v6 =	vmul.f32 v6, v1  }
0x9f: {  	v40 =	vmax.f32 v10, $0.0e+00;
	v9 =	vmul.f32 v9, v4;
	v7 =	vadd.f32 $-2.394333780e-01, v7  }
0xa0: {  	v15 =	vmul.f32 $6.006604990e-03, v56;
	v11 =	vadd.f32 $-9.229041640e-02, v12;
	v53 =	vmul.f32 $6.006604990e-03, v54  }
0xa1: {  	v6 =	vadd.f32 $-2.394333780e-01, v6;
	v9 =	vadd.f32 $-2.394333780e-01, v9;
	v7 =	vmul.f32 v7, v62  }
0xa2: {  	v15 =	vsub.f32 $3.426460180e-02, v15;
	v3 =	vmul.f32 v11, v41;
	v11 =	vsub.f32 $3.426460180e-02, v13  }
0xa3: {  	v10 =	vsub.f32 $3.426460180e-02, v53;
	v6 =	vmul.f32 v6, v1;
	v9 =	vmul.f32 v9, v4  }
0xa4: {  	v7 =	vadd.f32 $3.314466480e-01, v7;
	v15 =	vmul.f32 v15, v56;
	v11 =	vmul.f32 v11, v2  }
0xa5: {  	v3 =	vadd.f32 $1.649981290e-01, v3;
	v10 =	vmul.f32 v10, v54;
	v6 =	vadd.f32 $3.314466480e-01, v6;
	v12 =	vpop (erf)  }
0xa6: {  	v9 =	vadd.f32 $3.314466480e-01, v9;
	v11 =	vadd.f32 $-9.229041640e-02, v11;
	v53 =	vmul.f32 $6.006604990e-03, v12  }
0xa7: {  	v7 =	vmul.f32 v7, v62;
	v15 =	vadd.f32 $-9.229041640e-02, v15;
	v3 =	vmul.f32 v3, v41  }
0xa8: {  	v10 =	vadd.f32 $-9.229041640e-02, v10;
	v11 =	vmul.f32 v11, v2;
	v13 =	vsub.f32 $3.426460180e-02, v53  }
0xa9: {  	v6 =	vmul.f32 v6, v1;
	v9 =	vmul.f32 v9, v4;
	v7 =	vadd.f32 $-4.998255070e-01, v7  }
0xaa: {  	v15 =	vmul.f32 v15, v56;
	v11 =	vadd.f32 $1.649981290e-01, v11;
	v13 =	vmul.f32 v13, v12  }
0xab: {  	v3 =	vadd.f32 $-2.394333780e-01, v3;
	v10 =	vmul.f32 v10, v54;
	v9 =	vadd.f32 $-4.998255070e-01, v9  }
0xac: {  	v6 =	vadd.f32 $-4.998255070e-01, v6;
	v11 =	vmul.f32 v11, v2;
	v13 =	vadd.f32 $-9.229041640e-02, v13  }
0xad: {  	v7 =	vmul.f32 v7, v62;
	v15 =	vadd.f32 $1.649981290e-01, v15;
	v9 =	vmul.f32 v9, v4  }
0xae: {  	v3 =	vmul.f32 v3, v41;
	v11 =	vadd.f32 $-2.394333780e-01, v11;
	v13 =	vmul.f32 v13, v12  }
0xaf: {  	v6 =	vmul.f32 v6, v1;
	v10 =	vadd.f32 $1.649981290e-01, v10;
	v9 =	vadd.f32 $9.999936220e-01, v9  }
0xb0: {  	v53 =	vsel vm14, $0x3F800000, v8;
	v11 =	vmul.f32 v11, v2;
	v13 =	vadd.f32 $1.649981290e-01, v13  }
0xb1: {  	v7 =	vadd.f32 $9.999936220e-01, v7;
	v3 =	vadd.f32 $3.314466480e-01, v3;
	v4 =	vmul.f32 v9, v4  }
0xb2: {  	v33 =	vadd.f32 v53, v33;
	v11 =	vadd.f32 $3.314466480e-01, v11;
	v13 =	vmul.f32 v13, v12  }
0xb3: {  	v6 =	vadd.f32 $9.999936220e-01, v6;
	v10 =	vmul.f32 v10, v54;
	v4 =	vadd.f32 $3.910905380e-08, v4  }
0xb4: {  	v3 =	vmul.f32 v3, v41;
	v11 =	vmul.f32 v11, v2;
	v13 =	vadd.f32 $-2.394333780e-01, v13  }
0xb5: {  	v10 =	vadd.f32 $-2.394333780e-01, v10;
	v1 =	vmul.f32 v6, v1;
	v4 =	vmul.f32 v4, v14  }
0xb6: {  	v14 =	vmul.f32 v15, v56;
	v11 =	vadd.f32 $-4.998255070e-01, v11;
	v13 =	vmul.f32 v13, v12  }
0xb7: {  	v9 =	vsel vm15, $0x3F800000, v8;
	v10 =	vmul.f32 v10, v54;
	v4 =	vadd.f32 v4, v5  }
0xb8: {  	v11 =	vmul.f32 v11, v2;
	v5 =	vadd.f32 $3.314466480e-01, v13;
	v13 =	vadd.f32 $-2.394333780e-01, v14  }
0xb9: {  	v34 =	vadd.f32 v9, v34;
	v10 =	vadd.f32 $3.314466480e-01, v10;
	v4 =	vmul.f32 v4, v9  }
0xba: {  	v9 =	vadd.f32 $9.999936220e-01, v11;
	v5 =	vmul.f32 v5, v12;
	v11 =	vmul.f32 v13, v56  }
0xbb: {  	v39 =	vadd.f32 v4, v39;
	v4 =	vmul.f32 v7, v62;
	v7 =	vmul.f32 v10, v54  }
0xbc: {  	v2 =	vmul.f32 v9, v2;
	v5 =	vadd.f32 $-4.998255070e-01, v5;
	v9 =	vadd.f32 $3.314466480e-01, v11  }
0xbd: {  	p0 =	sne.s32 s16, $0x3FC0;
	v6 =	vxor.u32 $0x80000000, v63;
	v3 =	vadd.f32 $-4.998255070e-01, v3;
	v1 =	vadd.f32 $3.910905380e-08, v1  }
.Ltmp0:
0xbe: {  	v7 =	vadd.f32 $-4.998255070e-01, v7;
	v5 =	vmul.f32 v5, v12;
	v9 =	vmul.f32 v9, v56;
	(pc) =	sbr.rel @p0 .LBB2_2-.Ltmp0, $4  }
0xbf: {  	v62 =	vand.u32 $0x7FFFFFFF, v0;
	v0 =	vmul.f32 v0, v57;
	v2 =	vadd.f32 $3.910905380e-08, v2  }
0xc0: {  	v7 =	vmul.f32 v7, v54;
	v5 =	vadd.f32 $9.999936220e-01, v5;
	v9 =	vadd.f32 $-4.998255070e-01, v9  }
0xc1: {  	v60 =	vmul.f32 v2, v60;
	v2 =	vmul.f32 v1, v61;
	v1 =	vmax.f32 v6, $0.0e+00  }
0xc2: {  	s16 =	sadd.s32 $0x40, s16;
	v63 =	vmul.f32 v5, v12;
	v5 =	vadd.f32 $9.999936220e-01, v7;
	v61 =	vmul.f32 v9, v56  }
0xc3: {  	_ = 	snop  }
0xc4: {  	v3 =	vmul.f32 v3, v41;
	v6 =	vadd.f32 $9.999936220e-01, v61  }
0xc5: {  	v9 =	vmul.f32 v29, v27;
	v0 =	vxor.u32 $0x80000000, v0;
	v4 =	vadd.f32 $3.910905380e-08, v4  }
0xc6: {  	v7 =	vadd.f32 $3.910905380e-08, v63;
	v3 =	vadd.f32 $9.999936220e-01, v3;
	v6 =	vmul.f32 v6, v56  }
0xc7: {  	v10 =	vadd.f32 v60, v55;
	vm0 =	vgt.f32 v59, $1.000000010e-01;
	v0 =	vmax.f32 v0, $0.0e+00  }
0xc8: {  	v7 =	vmul.f32 v7, v59;
	v3 =	vmul.f32 v3, v41;
	v6 =	vadd.f32 $3.910905380e-08, v6  }
0xc9: {  	v5 =	vmul.f32 v5, v54;
	v9 =	vxor.u32 $0x80000000, v9;
	v10 =	vmul.f32 v10, v32  }
0xca: {  	v1 =	vadd.f32 v7, v1;
	v3 =	vadd.f32 $3.910905380e-08, v3;
	v6 =	vmul.f32 v6, v38  }
0xcb: {  	v9 =	vmax.f32 v9, $0.0e+00;
	v5 =	vadd.f32 $3.910905380e-08, v5;
	v7 =	vsel vm0, $0x3F800000, v8  }
0xcc: {  	v1 =	vmul.f32 v1, v7;
	v3 =	vmul.f32 v3, v25;
	v6 =	vadd.f32 v6, v9  }
0xcd: {  	v4 =	vmul.f32 v4, v35;
	v7 =	vadd.f32 v7, v49;
	v9 =	vadd.f32 v10, v51  }
0xce: {  	v1 =	vadd.f32 v1, v52;
	v3 =	vadd.f32 v3, v40;
	v6 =	vmul.f32 v6, v31  }
0xcf: {  	v4 =	vadd.f32 v4, v58;
	v5 =	vmul.f32 v5, v62;
	v60 =	vadd.f32 v42, v7  }
0xd0: {  	v1 =	vadd.f32 v9, v1;
	v3 =	vmul.f32 v3, v53;
	v6 =	vadd.f32 v6, v50  }
0xd1: {  	vm15 =	vgt.f32 v62, $1.000000010e-01;
	v0 =	vadd.f32 v5, v0;
	v5 =	vadd.f32 v30, v60  }
0xd2: {  	v4 =	vmul.f32 v4, v28;
	v3 =	vadd.f32 v3, v48;
	v1 =	vadd.f32 v6, v1  }
0xd3: {  	v2 =	vadd.f32 v2, v36;
	v61 =	vadd.f32 v33, v5;
	v6 =	vsel vm15, $0x3F800000, v8  }
0xd4: {  	v4 =	vadd.f32 v4, v47;
	v0 =	vmul.f32 v0, v6;
	v1 =	vadd.f32 v3, v1  }
0xd5: {  	v62 =	vadd.f32 v6, v45;
	v3 =	vadd.f32 v26, v61  }
0xd6: {  	v2 =	vmul.f32 v2, v37;
	v0 =	vadd.f32 v0, v46;
	v1 =	vadd.f32 v4, v1  }
0xd7: {  	v63 =	vadd.f32 v62, v3  }
0xd8: {  	v2 =	vadd.f32 v2, v44;
	v0 =	vadd.f32 v0, v1  }
0xd9: {  	v1 =	vadd.f32 v43, v63  }
0xda: {  	v0 =	vadd.f32 v2, v0  }
0xdb: {  	v1 =	vadd.f32 v34, v1  }
0xdc: {  	[tilespmem:$0x2200] =	vst v8;
	v0 =	vadd.f32 v39, v0  }
0xdd: {  	[tilespmem:$0x2180] =	vst v1  }
0xde: {  	[tilespmem:$0x2100] =	vst v0  }
0xdf: {  	[hbm4b:s7+s4] =	stream.linear.scatter [tilespmem:s12], [sflag:$0x1], $0x80, $0x38;
	[tilespmem:$0x2300] =	vst v63  }
0xe0: {  	_ =	swait.ge [sflag:s10], $0x80  }
0xe1: {  	[sflag:s10] =	ssyncset.done $0x0  }
0xe2: {  	[sflag:s10] =	ssyncadd.s32 $0xFFFFFF80  }
0xe3: {  	[hbm4b:s6+s4] =	stream.linear.scatter [tilespmem:s13], [sflag:$0x1], $0x80, $0x38;
	[tilespmem:$0x2300] =	vst v63  }
0xe4: {  	s15 =	sadd.s32 $0x1, s15;
	_ =	swait.ge [sflag:s10], $0x80  }
0xe5: {  	p0 =	sne.s32 s15, s9;
	[sflag:s10] =	ssyncset.done $0x0  }
.Ltmp1:
0xe6: {  	[sflag:s10] =	ssyncadd.s32 $0xFFFFFF80;
	(pc) =	sbr.rel @p0 .LBB2_1-.Ltmp1, $4  }
0xe7: {  	[hbm4b:s8+s4] =	stream.linear.scatter [tilespmem:s14], [sflag:$0x1], $0x80, $0x38;
	[tilespmem:$0x2300] =	vst v63  }
0xe8: {  	_ =	swait.ge [sflag:s10], $0x80  }
0xe9: {  	[sflag:s10] =	ssyncset.done $0x0  }
0xea: {  	[sflag:s10] =	ssyncadd.s32 $0xFFFFFF80  }
0xeb: {  	_ =	sfence.sel $0x180000  }
0xec: {  	[bflag:$0x0] =	sbarrier.arrive $0xFFFF  }
0xed: {  	p0 =	sne.s32 s2, $0x0;
	_ =	strace $0x90000047  }
0xee: {  	s0 =	sadd.s32 @!p0 $0x100000, s0;
	[bflag:$0x2] =	sbarrier.arrive $0xFFFF  }
0xef: {  	[sflag:s0] =	ssyncadd.tile.s32 @!p0 $0x1;
	_ =	shalt  }
.Lfunc_end2:
_tile_overlayer_lowered:
.L_overlay_start_2:
0xf0: {  	(tag) =	ssettag $0x2  }
0xf1: {  	s0 =	rddreg [dreg:$0x0];
	s2 =	stileid.u32  }
0xf2: {  	s1 =	rddreg [dreg:$0x1];
	p0 =	sne.s32 s2, $0x0  }
0xf3: {  	s3 =	rddreg [dreg:$0x2];
	[bflag:$0x3] =	sbarrier.arrive $0xFFFF;
	s2 =	simm.s32 @!p0 $0x1C01  }
0xf4: {  	[timem:s3], [sflag:s2] =	dma.local @!p0 [hbm:s0], s1  }
0xf5: {  	s0 =	simm.s32 @!p0 $0x1  }
0xf6: {  	_ =	swait.ge @!p0 [sflag:s0], s1  }
0xf7: {  	s1 =	ssub.s32 @!p0 $0x0, s1;
	[sflag:s0] =	ssyncset.done @!p0 $0x0  }
0xf8: {  	[sflag:s0] =	ssyncadd.s32 @!p0 s1  }
0xf9: {  	[bflag:$0x3] =	sbarrier.arrive $0xFFFF  }
0xfa: {  	_ =	shalt  }

</sc_bundles>
